<compile_context>
chip_gen: v7x
topology: tpu7x:2x2x1
jax: 0.10.2.dev20260603
libtpu: 0.0.44.dev20260713+nightly
codegen_flags: <defaults>
</compile_context>

<pallas_src>
import functools

import jax
import jax.numpy as jnp
from jax import lax
from jax.experimental import pallas as pl
from jax.experimental.pallas import tpu as pltpu
from jax.experimental.pallas import tpu_sc as plsc

N = 10000
NR = 10240
E = 320000
ROWS = 2560
PE = ROWS * 128
DUMMY = N
STRIPE = NR // 16

_MESH = plsc.VectorSubcoreMesh(core_axis_name="c", subcore_axis_name="s")



@functools.partial(
    pl.kernel,
    out_type=jax.ShapeDtypeStruct((2 * NR,), jnp.float32),
    mesh=_MESH,
    scratch_types=[
        pltpu.VMEM((80, 128), jnp.int32),
        pltpu.VMEM((128,), jnp.float32),
        pltpu.VMEM_SHARED((NR,), jnp.float32),
    ],
)
def _sc_degree(dst_hbm, zeros1_hbm, out_hbm, dst_v, ones_v, acc_sh):
    c = lax.axis_index("c")
    s = lax.axis_index("s")
    wid = c * 16 + s
    for i in range(8):
        ones_v[pl.ds(i * 16, 16)] = jnp.ones((16,), jnp.float32)
    pltpu.sync_copy(dst_hbm.at[pl.ds(wid * 80, 80)], dst_v)
    pltpu.sync_copy(zeros1_hbm.at[pl.ds(s * STRIPE, STRIPE)],
                    acc_sh.at[pl.ds(s * STRIPE, STRIPE)])
    plsc.subcore_barrier()

    def body(j, carry):
        pltpu.sync_copy(ones_v, acc_sh.at[dst_v.at[j]], add=True)
        return carry

    lax.fori_loop(0, 80, body, 0)
    plsc.subcore_barrier()
    pltpu.sync_copy(acc_sh.at[pl.ds(s * STRIPE, STRIPE)],
                    out_hbm.at[pl.ds(c * NR + s * STRIPE, STRIPE)])


_SEG = 80


def _make_sc_scatter(feature_split: bool):
    cpt = (2 * ROWS) // 32 if feature_split else ROWS // 32
    nseg = cpt // _SEG

    @functools.partial(
        pl.kernel,
        out_type=jax.ShapeDtypeStruct((2 * NR, 128), jnp.float32),
        mesh=_MESH,
        scratch_types=[
            pltpu.VMEM((_SEG, 128), jnp.int32),
            pltpu.VMEM((_SEG, 128), jnp.int32),
            pltpu.VMEM((128, 128), jnp.float32),
            pltpu.VMEM_SHARED((NR, 128), jnp.float32),
            pltpu.SemaphoreType.DMA,
        ],
    )
    def _sc_scatter(y_hbm, srcs_hbm, dsts_hbm, zeros_hbm, out_hbm,
                    src_v, dst_v, rows_v, acc_sh, sem):
        c = lax.axis_index("c")
        s = lax.axis_index("s")
        if feature_split:
            src_base = c * ROWS + s * cpt
            dst_base = s * cpt
        else:
            src_base = (c * 16 + s) * cpt
            dst_base = src_base
        pltpu.sync_copy(zeros_hbm.at[pl.ds(s * STRIPE, STRIPE)],
                        acc_sh.at[pl.ds(s * STRIPE, STRIPE)])
        plsc.subcore_barrier()

        def seg_body(g, carry):
            pltpu.sync_copy(srcs_hbm.at[pl.ds(src_base + g * _SEG, _SEG)], src_v)
            pltpu.sync_copy(dsts_hbm.at[pl.ds(dst_base + g * _SEG, _SEG)], dst_v)

            def body(j, carry2):
                pltpu.async_copy(y_hbm.at[src_v.at[j]], rows_v, sem).wait()
                pltpu.sync_copy(rows_v, acc_sh.at[dst_v.at[j]], add=True)
                return carry2

            lax.fori_loop(0, _SEG, body, 0)
            return carry

        lax.fori_loop(0, nseg, seg_body, 0)
        plsc.subcore_barrier()
        pltpu.sync_copy(acc_sh.at[pl.ds(s * STRIPE, STRIPE)],
                        out_hbm.at[pl.ds(c * NR + s * STRIPE, STRIPE)])

    return _sc_scatter


_sc_scatter1 = _make_sc_scatter(feature_split=True)
_sc_scatter2 = _make_sc_scatter(feature_split=False)



_R = 256
_G = NR // _R


def _tc_a_body(x_ref, w_ref, degp_ref, y_ref, dinv_ref):
    deg = degp_ref[0] + degp_ref[1] + 1.0
    dinv = lax.rsqrt(deg)
    xw = jnp.dot(x_ref[...], w_ref[...], preferred_element_type=jnp.float32)
    y = xw * dinv[:, None]
    y_ref[0] = y[:, :128]
    y_ref[1] = y[:, 128:]
    dinv_ref[...] = dinv


_tc_a = pl.pallas_call(
    _tc_a_body,
    grid=(_G,),
    in_specs=[
        pl.BlockSpec((_R, 128), lambda i: (i, 0)),
        pl.BlockSpec((128, 256), lambda i: (0, 0)),
        pl.BlockSpec((2, _R), lambda i: (0, i)),
    ],
    out_specs=[
        pl.BlockSpec((2, _R, 128), lambda i: (0, i, 0)),
        pl.BlockSpec((_R,), lambda i: (i,)),
    ],
    out_shape=[
        jax.ShapeDtypeStruct((2, NR, 128), jnp.float32),
        jax.ShapeDtypeStruct((NR,), jnp.float32),
    ],
)


def _tc_b_body(s1_ref, y1_ref, dinv_ref, b1_ref, w2_ref, y2_ref):
    dinv = dinv_ref[...]
    b1 = b1_ref[...]
    h1a = jnp.maximum(dinv[:, None] * (s1_ref[0] + y1_ref[0]) + b1[:128], 0.0)
    h1b = jnp.maximum(dinv[:, None] * (s1_ref[1] + y1_ref[1]) + b1[128:], 0.0)
    w2 = w2_ref[...]
    y2 = jnp.dot(h1a, w2[:128], preferred_element_type=jnp.float32)
    y2 = y2 + jnp.dot(h1b, w2[128:], preferred_element_type=jnp.float32)
    y2_ref[...] = y2 * dinv[:, None]


_tc_b = pl.pallas_call(
    _tc_b_body,
    grid=(_G,),
    in_specs=[
        pl.BlockSpec((2, _R, 128), lambda i: (0, i, 0)),
        pl.BlockSpec((2, _R, 128), lambda i: (0, i, 0)),
        pl.BlockSpec((_R,), lambda i: (i,)),
        pl.BlockSpec((256,), lambda i: (0,)),
        pl.BlockSpec((256, 128), lambda i: (0, 0)),
    ],
    out_specs=pl.BlockSpec((_R, 128), lambda i: (i, 0)),
    out_shape=jax.ShapeDtypeStruct((NR, 128), jnp.float32),
)


def _tc_c_body(s2_ref, y2_ref, dinv_ref, b2_ref, h_ref):
    dinv = dinv_ref[...]
    acc = s2_ref[0] + s2_ref[1] + y2_ref[...]
    h_ref[...] = jnp.maximum(dinv[:, None] * acc + b2_ref[...][None, :], 0.0)


_tc_c = pl.pallas_call(
    _tc_c_body,
    grid=(_G,),
    in_specs=[
        pl.BlockSpec((2, _R, 128), lambda i: (0, i, 0)),
        pl.BlockSpec((_R, 128), lambda i: (i, 0)),
        pl.BlockSpec((_R,), lambda i: (i,)),
        pl.BlockSpec((128,), lambda i: (0,)),
    ],
    out_specs=pl.BlockSpec((_R, 128), lambda i: (i, 0)),
    out_shape=jax.ShapeDtypeStruct((NR, 128), jnp.float32),
)



def kernel(x, edge_index, W1, b1, W2, b2):
    src = edge_index[0].astype(jnp.int32)
    dst = edge_index[1].astype(jnp.int32)
    pad = PE - E
    srcp = jnp.concatenate([src, jnp.zeros((pad,), jnp.int32)]).reshape(ROWS, 128)
    dstp = jnp.concatenate([dst, jnp.full((pad,), DUMMY, jnp.int32)]).reshape(ROWS, 128)
    srcs2 = jnp.concatenate([srcp, srcp + NR], axis=0)
    z1 = jnp.zeros((NR,), jnp.float32)
    z2 = jnp.zeros((NR, 128), jnp.float32)
    xp = jnp.pad(x, ((0, NR - N), (0, 0)))

    degp = _sc_degree(dstp, z1).reshape(2, NR)
    y1p, dinv = _tc_a(xp, W1, degp)
    s1 = _sc_scatter1(y1p.reshape(2 * NR, 128), srcs2, dstp, z2).reshape(2, NR, 128)
    y2 = _tc_b(s1, y1p, dinv, b1, W2)
    s2 = _sc_scatter2(y2, srcp, dstp, z2).reshape(2, NR, 128)
    h2 = _tc_c(s2, y2, dinv, b2)
    return h2[:N]

# --- scband reference (transcript-rebuilt; emitter-appended) ---
"""Pipeline reference for scband-multi-layer-gcn-73108933312562 (READ-ONLY COPY).

The authoritative reference and input builder live on the scoring server;
editing this copy changes nothing except your own understanding.
"""

import jax, jax.numpy as jnp
import numpy as np

N_NODES = 10000

def setup_inputs(seed: int = 0) -> dict:
    key = jax.random.key(seed)
    k1, k2, k3, k4, k5, k6 = jax.random.split(key, 6)
    x = jax.random.normal(k1, (N_NODES, 128), dtype=jnp.float32)
    edge_index = jax.random.randint(k2, (2, 320000), 0, N_NODES, dtype=jnp.int64)
    # GCNConv layer params (glorot-like init)
    W1 = jax.random.normal(k3, (128, 256), dtype=jnp.float32) * (1.0 / np.sqrt(128))
    b1 = jnp.zeros((256,), dtype=jnp.float32)
    W2 = jax.random.normal(k4, (256, 128), dtype=jnp.float32) * (1.0 / np.sqrt(256))
    b2 = jnp.zeros((128,), dtype=jnp.float32)
    return {"x": x, "edge_index": edge_index, "W1": W1, "b1": b1, "W2": W2, "b2": b2}


def _gcn_conv(x, edge_index, W, b, num_nodes):
    # x' = D^{-1/2} (A + I) D^{-1/2} (x W) + b   (PyG GCNConv semantics)
    x = x @ W
    src = edge_index[0]
    dst = edge_index[1]
    self_loops = jnp.arange(num_nodes, dtype=src.dtype)
    src = jnp.concatenate([src, self_loops])
    dst = jnp.concatenate([dst, self_loops])
    deg = jnp.zeros((num_nodes,), dtype=x.dtype).at[dst].add(1.0)
    deg_inv_sqrt = jnp.where(deg > 0, deg ** -0.5, 0.0)
    norm = deg_inv_sqrt[src] * deg_inv_sqrt[dst]
    msg = x[src] * norm[:, None]
    out = jnp.zeros((num_nodes, x.shape[1]), dtype=x.dtype).at[dst].add(msg)
    return out + b


def reference(x, edge_index, W1, b1, W2, b2):
    # layer 1
    h = _gcn_conv(x, edge_index, W1, b1, N_NODES)
    h = jax.nn.relu(h)
    # dropout is identity in eval mode
    # layer 2
    h = _gcn_conv(h, edge_index, W2, b2, N_NODES)
    h = jax.nn.relu(h)
    return h

if __name__ == "__main__":
    import jax
    _d = setup_inputs()
    print(jax.jit(kernel)(*tuple(_d.values())))

</pallas_src>

<mosaic_0001>
#map = affine_map<(d0, d1) -> (0, 0)>
module attributes {stable_mosaic.version = 14 : i64} {
  func.func @_sc_scatter(%arg0: i32, %arg1: i32, %arg2: memref<10240x128xf32, #tpu.memory_space<hbm>>, %arg3: memref<2560x128xi32, #tpu.memory_space<hbm>>, %arg4: memref<2560x128xi32, #tpu.memory_space<hbm>>, %arg5: memref<10240x128xf32, #tpu.memory_space<hbm>>, %arg6: memref<20480x128xf32, #tpu.memory_space<hbm>>, %arg7: memref<80x128xi32, #tpu.memory_space<vmem>>, %arg8: memref<80x128xi32, #tpu.memory_space<vmem>>, %arg9: memref<128x128xf32, #tpu.memory_space<vmem>>, %arg10: memref<10240x128xf32, #tpu.memory_space<vmem_shared>>, %arg11: memref<!tpu.dma_semaphore, #tpu.memory_space<semaphore_mem>>) attributes {dimension_semantics = [#tpu.dimension_semantics<core_parallel>, #tpu.dimension_semantics<subcore_parallel>], iteration_bounds = array<i64: 2, 16>, scalar_prefetch = 0 : i64, scratch_operands = 5 : i64, tpu.core_type = #tpu.core_type<sc_vector_subcore>, window_params = [{transform_indices = #map}, {transform_indices = #map}, {transform_indices = #map}, {transform_indices = #map}, {transform_indices = #map}]} {
    %mul3A = arith.constant 16 : i32
    %mul3A_0 = arith.muli %arg0, %mul3A : i32
    %add3A = arith.addi %mul3A_0, %arg1 : i32
    %mul3A_1 = arith.constant 80 : i32
    %mul3A_2 = arith.muli %add3A, %mul3A_1 : i32
    %mul3A_3 = arith.constant 640 : i32
    %mul3A_4 = arith.muli %arg1, %mul3A_3 : i32
    %mul3A_5 = arith.constant 640 : i32
    %mul3A_6 = arith.muli %arg1, %mul3A_5 : i32
    "tpu.region"() ({
      %run_scoped3A = tpu.sem_alloc : memref<!tpu.dma_semaphore, #tpu.memory_space<semaphore_mem>>
      %dma_start3A = arith.constant 0 : i32
      %dma_start3A_29 = tpu.memref_slice %arg10[%mul3A_6, %dma_start3A] : memref<10240x128xf32, #tpu.memory_space<vmem_shared>> -> memref<640x128xf32, #tpu.memory_space<vmem_shared>>
      %dma_start3A_30 = arith.constant 0 : i32
      %dma_start3A_31 = tpu.memref_slice %arg5[%mul3A_4, %dma_start3A_30] : memref<10240x128xf32, #tpu.memory_space<hbm>> -> memref<640x128xf32, #tpu.memory_space<hbm>>
      tpu.enqueue_dma source(%dma_start3A_31 : memref<640x128xf32, #tpu.memory_space<hbm>>) target(%dma_start3A_29 : memref<640x128xf32, #tpu.memory_space<vmem_shared>>) target_semaphore(%run_scoped3A : memref<!tpu.dma_semaphore, #tpu.memory_space<semaphore_mem>>)
      %dma_wait3A = arith.constant 0 : i32
      %dma_wait3A_32 = tpu.memref_slice %arg10[%mul3A_6, %dma_wait3A] : memref<10240x128xf32, #tpu.memory_space<vmem_shared>> -> memref<640x128xf32, #tpu.memory_space<vmem_shared>>
      %dma_wait3A_33 = arith.constant 0 : i32
      %dma_wait3A_34 = tpu.memref_slice %arg5[%mul3A_4, %dma_wait3A_33] : memref<10240x128xf32, #tpu.memory_space<hbm>> -> memref<640x128xf32, #tpu.memory_space<hbm>>
      tpu.wait_dma2 semaphore(%run_scoped3A : memref<!tpu.dma_semaphore, #tpu.memory_space<semaphore_mem>>) src(%dma_wait3A_34 : memref<640x128xf32, #tpu.memory_space<hbm>>) dst(%dma_wait3A_32 : memref<640x128xf32, #tpu.memory_space<vmem_shared>>)
      tpu.yield
    }) : () -> ()
    %barrier3A = arith.constant 0 : index
    tpu.barrier barrier_id(%barrier3A)
    %scan3A = arith.constant 0 : i32
    %scan3A_7 = arith.constant 0 : i32
    %mul3A_8 = arith.constant 80 : i32
    %mul3A_9 = arith.muli %scan3A_7, %mul3A_8 : i32
    %add3A_10 = arith.addi %mul3A_2, %mul3A_9 : i32
    "tpu.region"() ({
      %run_scoped3A = tpu.sem_alloc : memref<!tpu.dma_semaphore, #tpu.memory_space<semaphore_mem>>
      %dma_start3A = arith.constant 0 : i32
      %dma_start3A_29 = tpu.memref_slice %arg3[%add3A_10, %dma_start3A] : memref<2560x128xi32, #tpu.memory_space<hbm>> -> memref<80x128xi32, #tpu.memory_space<hbm>>
      %dma_start3A_30 = arith.constant 0 : i32
      %dma_start3A_31 = tpu.memref_slice %arg3[%add3A_10, %dma_start3A_30] : memref<2560x128xi32, #tpu.memory_space<hbm>> -> memref<80x128xi32, #tpu.memory_space<hbm>>
      tpu.enqueue_dma source(%dma_start3A_31 : memref<80x128xi32, #tpu.memory_space<hbm>>) target(%arg7 : memref<80x128xi32, #tpu.memory_space<vmem>>) target_semaphore(%run_scoped3A : memref<!tpu.dma_semaphore, #tpu.memory_space<semaphore_mem>>)
      %dma_wait3A = arith.constant 0 : i32
      %dma_wait3A_32 = tpu.memref_slice %arg3[%add3A_10, %dma_wait3A] : memref<2560x128xi32, #tpu.memory_space<hbm>> -> memref<80x128xi32, #tpu.memory_space<hbm>>
      %dma_wait3A_33 = arith.constant 0 : i32
      %dma_wait3A_34 = tpu.memref_slice %arg3[%add3A_10, %dma_wait3A_33] : memref<2560x128xi32, #tpu.memory_space<hbm>> -> memref<80x128xi32, #tpu.memory_space<hbm>>
      tpu.wait_dma2 semaphore(%run_scoped3A : memref<!tpu.dma_semaphore, #tpu.memory_space<semaphore_mem>>) src(%dma_wait3A_34 : memref<80x128xi32, #tpu.memory_space<hbm>>) dst(%arg7 : memref<80x128xi32, #tpu.memory_space<vmem>>)
      tpu.yield
    }) : () -> ()
    %mul3A_11 = arith.constant 80 : i32
    %mul3A_12 = arith.muli %scan3A_7, %mul3A_11 : i32
    %add3A_13 = arith.addi %mul3A_2, %mul3A_12 : i32
    "tpu.region"() ({
      %run_scoped3A = tpu.sem_alloc : memref<!tpu.dma_semaphore, #tpu.memory_space<semaphore_mem>>
      %dma_start3A = arith.constant 0 : i32
      %dma_start3A_29 = tpu.memref_slice %arg4[%add3A_13, %dma_start3A] : memref<2560x128xi32, #tpu.memory_space<hbm>> -> memref<80x128xi32, #tpu.memory_space<hbm>>
      %dma_start3A_30 = arith.constant 0 : i32
      %dma_start3A_31 = tpu.memref_slice %arg4[%add3A_13, %dma_start3A_30] : memref<2560x128xi32, #tpu.memory_space<hbm>> -> memref<80x128xi32, #tpu.memory_space<hbm>>
      tpu.enqueue_dma source(%dma_start3A_31 : memref<80x128xi32, #tpu.memory_space<hbm>>) target(%arg8 : memref<80x128xi32, #tpu.memory_space<vmem>>) target_semaphore(%run_scoped3A : memref<!tpu.dma_semaphore, #tpu.memory_space<semaphore_mem>>)
      %dma_wait3A = arith.constant 0 : i32
      %dma_wait3A_32 = tpu.memref_slice %arg4[%add3A_13, %dma_wait3A] : memref<2560x128xi32, #tpu.memory_space<hbm>> -> memref<80x128xi32, #tpu.memory_space<hbm>>
      %dma_wait3A_33 = arith.constant 0 : i32
      %dma_wait3A_34 = tpu.memref_slice %arg4[%add3A_13, %dma_wait3A_33] : memref<2560x128xi32, #tpu.memory_space<hbm>> -> memref<80x128xi32, #tpu.memory_space<hbm>>
      tpu.wait_dma2 semaphore(%run_scoped3A : memref<!tpu.dma_semaphore, #tpu.memory_space<semaphore_mem>>) src(%dma_wait3A_34 : memref<80x128xi32, #tpu.memory_space<hbm>>) dst(%arg8 : memref<80x128xi32, #tpu.memory_space<vmem>>)
      tpu.yield
    }) : () -> ()
    %scan3A_14 = arith.constant 0 : i32
    %scan3A_15 = arith.constant 0 : i32
    %scan3A_16 = arith.constant 80 : i32
    %scan3A_17 = arith.addi %scan3A_15, %scan3A_16 : i32
    %scan3A_18 = arith.constant 1 : i32
    scf.for %scan3A_29 = %scan3A_15 to %scan3A_17 step %scan3A_18  : i32 {
      %dma_start3A = arith.constant 0 : i32
      %dma_start3A_30 = tpu.memref_slice %arg7[%scan3A_29, %dma_start3A] : memref<80x128xi32, #tpu.memory_space<vmem>> -> memref<1x128xi32, #tpu.memory_space<vmem>>
      %dma_start3A_31 = tpu.memref_squeeze %dma_start3A_30 : memref<1x128xi32, #tpu.memory_space<vmem>> -> memref<128xi32, #tpu.memory_space<vmem>>
      %dma_start3A_32 = arith.constant 0 : i32
      %dma_start3A_33 = arith.constant 0 : i32
      %dma_start3A_34 = tpu.memref_slice %arg2[%dma_start3A_32, %dma_start3A_33] : memref<10240x128xf32, #tpu.memory_space<hbm>> -> memref<10240x128xf32, #tpu.memory_space<hbm>>
      tpu.enqueue_indirect_dma source(%dma_start3A_34 : memref<10240x128xf32, #tpu.memory_space<hbm>>) target(%arg9 : memref<128x128xf32, #tpu.memory_space<vmem>>) offsets(%dma_start3A_31 : memref<128xi32, #tpu.memory_space<vmem>>) semaphore(%arg11 : memref<!tpu.dma_semaphore, #tpu.memory_space<semaphore_mem>>)
      %dma_wait3A = arith.constant 0 : i32
      %dma_wait3A_35 = tpu.memref_slice %arg7[%scan3A_29, %dma_wait3A] : memref<80x128xi32, #tpu.memory_space<vmem>> -> memref<1x128xi32, #tpu.memory_space<vmem>>
      %dma_wait3A_36 = tpu.memref_squeeze %dma_wait3A_35 : memref<1x128xi32, #tpu.memory_space<vmem>> -> memref<128xi32, #tpu.memory_space<vmem>>
      %dma_wait3A_37 = arith.constant 0 : i32
      %dma_wait3A_38 = arith.constant 0 : i32
      %dma_wait3A_39 = tpu.memref_slice %arg2[%dma_wait3A_37, %dma_wait3A_38] : memref<10240x128xf32, #tpu.memory_space<hbm>> -> memref<10240x128xf32, #tpu.memory_space<hbm>>
      tpu.wait_indirect_dma semaphore(%arg11 : memref<!tpu.dma_semaphore, #tpu.memory_space<semaphore_mem>>) src(%dma_wait3A_39 : memref<10240x128xf32, #tpu.memory_space<hbm>>) dst(%arg9 : memref<128x128xf32, #tpu.memory_space<vmem>>)
      "tpu.region"() ({
        %run_scoped3A = tpu.sem_alloc : memref<!tpu.dma_semaphore, #tpu.memory_space<semaphore_mem>>
        %dma_start3A_40 = arith.constant 0 : i32
        %dma_start3A_41 = tpu.memref_slice %arg8[%scan3A_29, %dma_start3A_40] : memref<80x128xi32, #tpu.memory_space<vmem>> -> memref<1x128xi32, #tpu.memory_space<vmem>>
        %dma_start3A_42 = tpu.memref_squeeze %dma_start3A_41 : memref<1x128xi32, #tpu.memory_space<vmem>> -> memref<128xi32, #tpu.memory_space<vmem>>
        %dma_start3A_43 = arith.constant 0 : i32
        %dma_start3A_44 = arith.constant 0 : i32
        %dma_start3A_45 = tpu.memref_slice %arg10[%dma_start3A_43, %dma_start3A_44] : memref<10240x128xf32, #tpu.memory_space<vmem_shared>> -> memref<10240x128xf32, #tpu.memory_space<vmem_shared>>
        tpu.enqueue_indirect_dma source(%arg9 : memref<128x128xf32, #tpu.memory_space<vmem>>) target(%dma_start3A_45 : memref<10240x128xf32, #tpu.memory_space<vmem_shared>>) offsets(%dma_start3A_42 : memref<128xi32, #tpu.memory_space<vmem>>) semaphore(%run_scoped3A : memref<!tpu.dma_semaphore, #tpu.memory_space<semaphore_mem>>) {add = true}
        %dma_wait3A_46 = arith.constant 0 : i32
        %dma_wait3A_47 = tpu.memref_slice %arg8[%scan3A_29, %dma_wait3A_46] : memref<80x128xi32, #tpu.memory_space<vmem>> -> memref<1x128xi32, #tpu.memory_space<vmem>>
        %dma_wait3A_48 = tpu.memref_squeeze %dma_wait3A_47 : memref<1x128xi32, #tpu.memory_space<vmem>> -> memref<128xi32, #tpu.memory_space<vmem>>
        %dma_wait3A_49 = arith.constant 0 : i32
        %dma_wait3A_50 = arith.constant 0 : i32
        %dma_wait3A_51 = tpu.memref_slice %arg10[%dma_wait3A_49, %dma_wait3A_50] : memref<10240x128xf32, #tpu.memory_space<vmem_shared>> -> memref<10240x128xf32, #tpu.memory_space<vmem_shared>>
        tpu.wait_indirect_dma semaphore(%run_scoped3A : memref<!tpu.dma_semaphore, #tpu.memory_space<semaphore_mem>>) src(%arg9 : memref<128x128xf32, #tpu.memory_space<vmem>>) dst(%dma_wait3A_51 : memref<10240x128xf32, #tpu.memory_space<vmem_shared>>)
        tpu.yield
      }) : () -> ()
    }
    %scan3A_19 = arith.constant 80 : i32
    %scan3A_20 = arith.constant 1 : i32
    %barrier3A_21 = arith.constant 0 : index
    tpu.barrier barrier_id(%barrier3A_21)
    %mul3A_22 = arith.constant 640 : i32
    %mul3A_23 = arith.muli %arg1, %mul3A_22 : i32
    %mul3A_24 = arith.constant 10240 : i32
    %mul3A_25 = arith.muli %arg0, %mul3A_24 : i32
    %mul3A_26 = arith.constant 640 : i32
    %mul3A_27 = arith.muli %arg1, %mul3A_26 : i32
    %add3A_28 = arith.addi %mul3A_25, %mul3A_27 : i32
    "tpu.region"() ({
      %run_scoped3A = tpu.sem_alloc : memref<!tpu.dma_semaphore, #tpu.memory_space<semaphore_mem>>
      %dma_start3A = arith.constant 0 : i32
      %dma_start3A_29 = tpu.memref_slice %arg6[%add3A_28, %dma_start3A] : memref<20480x128xf32, #tpu.memory_space<hbm>> -> memref<640x128xf32, #tpu.memory_space<hbm>>
      %dma_start3A_30 = arith.constant 0 : i32
      %dma_start3A_31 = tpu.memref_slice %arg10[%mul3A_23, %dma_start3A_30] : memref<10240x128xf32, #tpu.memory_space<vmem_shared>> -> memref<640x128xf32, #tpu.memory_space<vmem_shared>>
      tpu.enqueue_dma source(%dma_start3A_31 : memref<640x128xf32, #tpu.memory_space<vmem_shared>>) target(%dma_start3A_29 : memref<640x128xf32, #tpu.memory_space<hbm>>) target_semaphore(%run_scoped3A : memref<!tpu.dma_semaphore, #tpu.memory_space<semaphore_mem>>)
      %dma_wait3A = arith.constant 0 : i32
      %dma_wait3A_32 = tpu.memref_slice %arg6[%add3A_28, %dma_wait3A] : memref<20480x128xf32, #tpu.memory_space<hbm>> -> memref<640x128xf32, #tpu.memory_space<hbm>>
      %dma_wait3A_33 = arith.constant 0 : i32
      %dma_wait3A_34 = tpu.memref_slice %arg10[%mul3A_23, %dma_wait3A_33] : memref<10240x128xf32, #tpu.memory_space<vmem_shared>> -> memref<640x128xf32, #tpu.memory_space<vmem_shared>>
      tpu.wait_dma2 semaphore(%run_scoped3A : memref<!tpu.dma_semaphore, #tpu.memory_space<semaphore_mem>>) src(%dma_wait3A_34 : memref<640x128xf32, #tpu.memory_space<vmem_shared>>) dst(%dma_wait3A_32 : memref<640x128xf32, #tpu.memory_space<hbm>>)
      tpu.yield
    }) : () -> ()
    return
  }
}

#map = affine_map<(d0, d1) -> (0, 0)>
#map1 = affine_map<(d0, d1) -> (0)>
module attributes {stable_mosaic.version = 14 : i64} {
  func.func @_sc_degree(%arg0: i32, %arg1: i32, %arg2: memref<2560x128xi32, #tpu.memory_space<hbm>>, %arg3: memref<10240xf32, #tpu.memory_space<hbm>>, %arg4: memref<20480xf32, #tpu.memory_space<hbm>>, %arg5: memref<80x128xi32, #tpu.memory_space<vmem>>, %arg6: memref<128xf32, #tpu.memory_space<vmem>>, %arg7: memref<10240xf32, #tpu.memory_space<vmem_shared>>) attributes {dimension_semantics = [#tpu.dimension_semantics<core_parallel>, #tpu.dimension_semantics<subcore_parallel>], iteration_bounds = array<i64: 2, 16>, scalar_prefetch = 0 : i64, scratch_operands = 3 : i64, tpu.core_type = #tpu.core_type<sc_vector_subcore>, window_params = [{transform_indices = #map}, {transform_indices = #map1}, {transform_indices = #map1}]} {
    %mul3A = arith.constant 16 : i32
    %mul3A_0 = arith.muli %arg0, %mul3A : i32
    %add3A = arith.addi %mul3A_0, %arg1 : i32
    %broadcast_in_dim3A = arith.constant 1.000000e+00 : f32
    %broadcast_in_dim3A_1 = vector.broadcast %broadcast_in_dim3A : f32 to vector<16xf32>
    %swap3A = arith.constant 0 : index
    %swap3A_2 = tpu.vector_load %arg6[%swap3A] {strides = array<i32>} : memref<128xf32, #tpu.memory_space<vmem>>, vector<16xf32>,
    %swap3A_3 = vector.shape_cast %swap3A_2 : vector<16xf32> to vector<16xf32>
    %swap3A_4 = vector.shape_cast %broadcast_in_dim3A_1 : vector<16xf32> to vector<16xf32>
    tpu.vector_store %arg6[%swap3A], %swap3A_4 {strides = array<i32>} : memref<128xf32, #tpu.memory_space<vmem>>, vector<16xf32>,
    %broadcast_in_dim3A_5 = arith.constant 1.000000e+00 : f32
    %broadcast_in_dim3A_6 = vector.broadcast %broadcast_in_dim3A_5 : f32 to vector<16xf32>
    %swap3A_7 = arith.constant 16 : index
    %swap3A_8 = tpu.vector_load %arg6[%swap3A_7] {strides = array<i32>} : memref<128xf32, #tpu.memory_space<vmem>>, vector<16xf32>,
    %swap3A_9 = vector.shape_cast %swap3A_8 : vector<16xf32> to vector<16xf32>
    %swap3A_10 = vector.shape_cast %broadcast_in_dim3A_6 : vector<16xf32> to vector<16xf32>
    tpu.vector_store %arg6[%swap3A_7], %swap3A_10 {strides = array<i32>} : memref<128xf32, #tpu.memory_space<vmem>>, vector<16xf32>,
    %broadcast_in_dim3A_11 = arith.constant 1.000000e+00 : f32
    %broadcast_in_dim3A_12 = vector.broadcast %broadcast_in_dim3A_11 : f32 to vector<16xf32>
    %swap3A_13 = arith.constant 32 : index
    %swap3A_14 = tpu.vector_load %arg6[%swap3A_13] {strides = array<i32>} : memref<128xf32, #tpu.memory_space<vmem>>, vector<16xf32>,
    %swap3A_15 = vector.shape_cast %swap3A_14 : vector<16xf32> to vector<16xf32>
    %swap3A_16 = vector.shape_cast %broadcast_in_dim3A_12 : vector<16xf32> to vector<16xf32>
    tpu.vector_store %arg6[%swap3A_13], %swap3A_16 {strides = array<i32>} : memref<128xf32, #tpu.memory_space<vmem>>, vector<16xf32>,
    %broadcast_in_dim3A_17 = arith.constant 1.000000e+00 : f32
    %broadcast_in_dim3A_18 = vector.broadcast %broadcast_in_dim3A_17 : f32 to vector<16xf32>
    %swap3A_19 = arith.constant 48 : index
    %swap3A_20 = tpu.vector_load %arg6[%swap3A_19] {strides = array<i32>} : memref<128xf32, #tpu.memory_space<vmem>>, vector<16xf32>,
    %swap3A_21 = vector.shape_cast %swap3A_20 : vector<16xf32> to vector<16xf32>
    %swap3A_22 = vector.shape_cast %broadcast_in_dim3A_18 : vector<16xf32> to vector<16xf32>
    tpu.vector_store %arg6[%swap3A_19], %swap3A_22 {strides = array<i32>} : memref<128xf32, #tpu.memory_space<vmem>>, vector<16xf32>,
    %broadcast_in_dim3A_23 = arith.constant 1.000000e+00 : f32
    %broadcast_in_dim3A_24 = vector.broadcast %broadcast_in_dim3A_23 : f32 to vector<16xf32>
    %swap3A_25 = arith.constant 64 : index
    %swap3A_26 = tpu.vector_load %arg6[%swap3A_25] {strides = array<i32>} : memref<128xf32, #tpu.memory_space<vmem>>, vector<16xf32>,
    %swap3A_27 = vector.shape_cast %swap3A_26 : vector<16xf32> to vector<16xf32>
    %swap3A_28 = vector.shape_cast %broadcast_in_dim3A_24 : vector<16xf32> to vector<16xf32>
    tpu.vector_store %arg6[%swap3A_25], %swap3A_28 {strides = array<i32>} : memref<128xf32, #tpu.memory_space<vmem>>, vector<16xf32>,
    %broadcast_in_dim3A_29 = arith.constant 1.000000e+00 : f32
    %broadcast_in_dim3A_30 = vector.broadcast %broadcast_in_dim3A_29 : f32 to vector<16xf32>
    %swap3A_31 = arith.constant 80 : index
    %swap3A_32 = tpu.vector_load %arg6[%swap3A_31] {strides = array<i32>} : memref<128xf32, #tpu.memory_space<vmem>>, vector<16xf32>,
    %swap3A_33 = vector.shape_cast %swap3A_32 : vector<16xf32> to vector<16xf32>
    %swap3A_34 = vector.shape_cast %broadcast_in_dim3A_30 : vector<16xf32> to vector<16xf32>
    tpu.vector_store %arg6[%swap3A_31], %swap3A_34 {strides = array<i32>} : memref<128xf32, #tpu.memory_space<vmem>>, vector<16xf32>,
    %broadcast_in_dim3A_35 = arith.constant 1.000000e+00 : f32
    %broadcast_in_dim3A_36 = vector.broadcast %broadcast_in_dim3A_35 : f32 to vector<16xf32>
    %swap3A_37 = arith.constant 96 : index
    %swap3A_38 = tpu.vector_load %arg6[%swap3A_37] {strides = array<i32>} : memref<128xf32, #tpu.memory_space<vmem>>, vector<16xf32>,
    %swap3A_39 = vector.shape_cast %swap3A_38 : vector<16xf32> to vector<16xf32>
    %swap3A_40 = vector.shape_cast %broadcast_in_dim3A_36 : vector<16xf32> to vector<16xf32>
    tpu.vector_store %arg6[%swap3A_37], %swap3A_40 {strides = array<i32>} : memref<128xf32, #tpu.memory_space<vmem>>, vector<16xf32>,
    %broadcast_in_dim3A_41 = arith.constant 1.000000e+00 : f32
    %broadcast_in_dim3A_42 = vector.broadcast %broadcast_in_dim3A_41 : f32 to vector<16xf32>
    %swap3A_43 = arith.constant 112 : index
    %swap3A_44 = tpu.vector_load %arg6[%swap3A_43] {strides = array<i32>} : memref<128xf32, #tpu.memory_space<vmem>>, vector<16xf32>,
    %swap3A_45 = vector.shape_cast %swap3A_44 : vector<16xf32> to vector<16xf32>
    %swap3A_46 = vector.shape_cast %broadcast_in_dim3A_42 : vector<16xf32> to vector<16xf32>
    tpu.vector_store %arg6[%swap3A_43], %swap3A_46 {strides = array<i32>} : memref<128xf32, #tpu.memory_space<vmem>>, vector<16xf32>,
    %mul3A_47 = arith.constant 80 : i32
    %mul3A_48 = arith.muli %add3A, %mul3A_47 : i32
    "tpu.region"() ({
      %run_scoped3A = tpu.sem_alloc : memref<!tpu.dma_semaphore, #tpu.memory_space<semaphore_mem>>
      %dma_start3A = arith.constant 0 : i32
      %dma_start3A_66 = tpu.memref_slice %arg2[%mul3A_48, %dma_start3A] : memref<2560x128xi32, #tpu.memory_space<hbm>> -> memref<80x128xi32, #tpu.memory_space<hbm>>
      %dma_start3A_67 = arith.constant 0 : i32
      %dma_start3A_68 = tpu.memref_slice %arg2[%mul3A_48, %dma_start3A_67] : memref<2560x128xi32, #tpu.memory_space<hbm>> -> memref<80x128xi32, #tpu.memory_space<hbm>>
      tpu.enqueue_dma source(%dma_start3A_68 : memref<80x128xi32, #tpu.memory_space<hbm>>) target(%arg5 : memref<80x128xi32, #tpu.memory_space<vmem>>) target_semaphore(%run_scoped3A : memref<!tpu.dma_semaphore, #tpu.memory_space<semaphore_mem>>)
      %dma_wait3A = arith.constant 0 : i32
      %dma_wait3A_69 = tpu.memref_slice %arg2[%mul3A_48, %dma_wait3A] : memref<2560x128xi32, #tpu.memory_space<hbm>> -> memref<80x128xi32, #tpu.memory_space<hbm>>
      %dma_wait3A_70 = arith.constant 0 : i32
      %dma_wait3A_71 = tpu.memref_slice %arg2[%mul3A_48, %dma_wait3A_70] : memref<2560x128xi32, #tpu.memory_space<hbm>> -> memref<80x128xi32, #tpu.memory_space<hbm>>
      tpu.wait_dma2 semaphore(%run_scoped3A : memref<!tpu.dma_semaphore, #tpu.memory_space<semaphore_mem>>) src(%dma_wait3A_71 : memref<80x128xi32, #tpu.memory_space<hbm>>) dst(%arg5 : memref<80x128xi32, #tpu.memory_space<vmem>>)
      tpu.yield
    }) : () -> ()
    %mul3A_49 = arith.constant 640 : i32
    %mul3A_50 = arith.muli %arg1, %mul3A_49 : i32
    %mul3A_51 = arith.constant 640 : i32
    %mul3A_52 = arith.muli %arg1, %mul3A_51 : i32
    "tpu.region"() ({
      %run_scoped3A = tpu.sem_alloc : memref<!tpu.dma_semaphore, #tpu.memory_space<semaphore_mem>>
      %dma_start3A = tpu.memref_slice %arg7[%mul3A_52] : memref<10240xf32, #tpu.memory_space<vmem_shared>> -> memref<640xf32, #tpu.memory_space<vmem_shared>>
      %dma_start3A_66 = tpu.memref_slice %arg3[%mul3A_50] : memref<10240xf32, #tpu.memory_space<hbm>> -> memref<640xf32, #tpu.memory_space<hbm>>
      tpu.enqueue_dma source(%dma_start3A_66 : memref<640xf32, #tpu.memory_space<hbm>>) target(%dma_start3A : memref<640xf32, #tpu.memory_space<vmem_shared>>) target_semaphore(%run_scoped3A : memref<!tpu.dma_semaphore, #tpu.memory_space<semaphore_mem>>)
      %dma_wait3A = tpu.memref_slice %arg7[%mul3A_52] : memref<10240xf32, #tpu.memory_space<vmem_shared>> -> memref<640xf32, #tpu.memory_space<vmem_shared>>
      %dma_wait3A_67 = tpu.memref_slice %arg3[%mul3A_50] : memref<10240xf32, #tpu.memory_space<hbm>> -> memref<640xf32, #tpu.memory_space<hbm>>
      tpu.wait_dma2 semaphore(%run_scoped3A : memref<!tpu.dma_semaphore, #tpu.memory_space<semaphore_mem>>) src(%dma_wait3A_67 : memref<640xf32, #tpu.memory_space<hbm>>) dst(%dma_wait3A : memref<640xf32, #tpu.memory_space<vmem_shared>>)
      tpu.yield
    }) : () -> ()
    %barrier3A = arith.constant 0 : index
    tpu.barrier barrier_id(%barrier3A)
    %scan3A = arith.constant 0 : i32
    %scan3A_53 = arith.constant 0 : i32
    %scan3A_54 = arith.constant 80 : i32
    %scan3A_55 = arith.addi %scan3A_53, %scan3A_54 : i32
    %scan3A_56 = arith.constant 1 : i32
    scf.for %scan3A_66 = %scan3A_53 to %scan3A_55 step %scan3A_56  : i32 {
      "tpu.region"() ({
        %run_scoped3A = tpu.sem_alloc : memref<!tpu.dma_semaphore, #tpu.memory_space<semaphore_mem>>
        %dma_start3A = arith.constant 0 : i32
        %dma_start3A_67 = tpu.memref_slice %arg5[%scan3A_66, %dma_start3A] : memref<80x128xi32, #tpu.memory_space<vmem>> -> memref<1x128xi32, #tpu.memory_space<vmem>>
        %dma_start3A_68 = tpu.memref_squeeze %dma_start3A_67 : memref<1x128xi32, #tpu.memory_space<vmem>> -> memref<128xi32, #tpu.memory_space<vmem>>
        %dma_start3A_69 = arith.constant 0 : i32
        %dma_start3A_70 = tpu.memref_slice %arg7[%dma_start3A_69] : memref<10240xf32, #tpu.memory_space<vmem_shared>> -> memref<10240xf32, #tpu.memory_space<vmem_shared>>
        tpu.enqueue_indirect_dma source(%arg6 : memref<128xf32, #tpu.memory_space<vmem>>) target(%dma_start3A_70 : memref<10240xf32, #tpu.memory_space<vmem_shared>>) offsets(%dma_start3A_68 : memref<128xi32, #tpu.memory_space<vmem>>) semaphore(%run_scoped3A : memref<!tpu.dma_semaphore, #tpu.memory_space<semaphore_mem>>) {add = true}
        %dma_wait3A = arith.constant 0 : i32
        %dma_wait3A_71 = tpu.memref_slice %arg5[%scan3A_66, %dma_wait3A] : memref<80x128xi32, #tpu.memory_space<vmem>> -> memref<1x128xi32, #tpu.memory_space<vmem>>
        %dma_wait3A_72 = tpu.memref_squeeze %dma_wait3A_71 : memref<1x128xi32, #tpu.memory_space<vmem>> -> memref<128xi32, #tpu.memory_space<vmem>>
        %dma_wait3A_73 = arith.constant 0 : i32
        %dma_wait3A_74 = tpu.memref_slice %arg7[%dma_wait3A_73] : memref<10240xf32, #tpu.memory_space<vmem_shared>> -> memref<10240xf32, #tpu.memory_space<vmem_shared>>
        tpu.wait_indirect_dma semaphore(%run_scoped3A : memref<!tpu.dma_semaphore, #tpu.memory_space<semaphore_mem>>) src(%arg6 : memref<128xf32, #tpu.memory_space<vmem>>) dst(%dma_wait3A_74 : memref<10240xf32, #tpu.memory_space<vmem_shared>>)
        tpu.yield
      }) : () -> ()
    }
    %scan3A_57 = arith.constant 80 : i32
    %barrier3A_58 = arith.constant 0 : index
    tpu.barrier barrier_id(%barrier3A_58)
    %mul3A_59 = arith.constant 640 : i32
    %mul3A_60 = arith.muli %arg1, %mul3A_59 : i32
    %mul3A_61 = arith.constant 10240 : i32
    %mul3A_62 = arith.muli %arg0, %mul3A_61 : i32
    %mul3A_63 = arith.constant 640 : i32
    %mul3A_64 = arith.muli %arg1, %mul3A_63 : i32
    %add3A_65 = arith.addi %mul3A_62, %mul3A_64 : i32
    "tpu.region"() ({
      %run_scoped3A = tpu.sem_alloc : memref<!tpu.dma_semaphore, #tpu.memory_space<semaphore_mem>>
      %dma_start3A = tpu.memref_slice %arg4[%add3A_65] : memref<20480xf32, #tpu.memory_space<hbm>> -> memref<640xf32, #tpu.memory_space<hbm>>
      %dma_start3A_66 = tpu.memref_slice %arg7[%mul3A_60] : memref<10240xf32, #tpu.memory_space<vmem_shared>> -> memref<640xf32, #tpu.memory_space<vmem_shared>>
      tpu.enqueue_dma source(%dma_start3A_66 : memref<640xf32, #tpu.memory_space<vmem_shared>>) target(%dma_start3A : memref<640xf32, #tpu.memory_space<hbm>>) target_semaphore(%run_scoped3A : memref<!tpu.dma_semaphore, #tpu.memory_space<semaphore_mem>>)
      %dma_wait3A = tpu.memref_slice %arg4[%add3A_65] : memref<20480xf32, #tpu.memory_space<hbm>> -> memref<640xf32, #tpu.memory_space<hbm>>
      %dma_wait3A_67 = tpu.memref_slice %arg7[%mul3A_60] : memref<10240xf32, #tpu.memory_space<vmem_shared>> -> memref<640xf32, #tpu.memory_space<vmem_shared>>
      tpu.wait_dma2 semaphore(%run_scoped3A : memref<!tpu.dma_semaphore, #tpu.memory_space<semaphore_mem>>) src(%dma_wait3A_67 : memref<640xf32, #tpu.memory_space<vmem_shared>>) dst(%dma_wait3A : memref<640xf32, #tpu.memory_space<hbm>>)
      tpu.yield
    }) : () -> ()
    return
  }
}

#map = affine_map<(d0, d1) -> (0, 0)>
module attributes {stable_mosaic.version = 14 : i64} {
  func.func @_sc_scatter(%arg0: i32, %arg1: i32, %arg2: memref<20480x128xf32, #tpu.memory_space<hbm>>, %arg3: memref<5120x128xi32, #tpu.memory_space<hbm>>, %arg4: memref<2560x128xi32, #tpu.memory_space<hbm>>, %arg5: memref<10240x128xf32, #tpu.memory_space<hbm>>, %arg6: memref<20480x128xf32, #tpu.memory_space<hbm>>, %arg7: memref<80x128xi32, #tpu.memory_space<vmem>>, %arg8: memref<80x128xi32, #tpu.memory_space<vmem>>, %arg9: memref<128x128xf32, #tpu.memory_space<vmem>>, %arg10: memref<10240x128xf32, #tpu.memory_space<vmem_shared>>, %arg11: memref<!tpu.dma_semaphore, #tpu.memory_space<semaphore_mem>>) attributes {dimension_semantics = [#tpu.dimension_semantics<core_parallel>, #tpu.dimension_semantics<subcore_parallel>], iteration_bounds = array<i64: 2, 16>, scalar_prefetch = 0 : i64, scratch_operands = 5 : i64, tpu.core_type = #tpu.core_type<sc_vector_subcore>, window_params = [{transform_indices = #map}, {transform_indices = #map}, {transform_indices = #map}, {transform_indices = #map}, {transform_indices = #map}]} {
    %mul3A = arith.constant 2560 : i32
    %mul3A_0 = arith.muli %arg0, %mul3A : i32
    %mul3A_1 = arith.constant 160 : i32
    %mul3A_2 = arith.muli %arg1, %mul3A_1 : i32
    %add3A = arith.addi %mul3A_0, %mul3A_2 : i32
    %mul3A_3 = arith.constant 160 : i32
    %mul3A_4 = arith.muli %arg1, %mul3A_3 : i32
    %mul3A_5 = arith.constant 640 : i32
    %mul3A_6 = arith.muli %arg1, %mul3A_5 : i32
    %mul3A_7 = arith.constant 640 : i32
    %mul3A_8 = arith.muli %arg1, %mul3A_7 : i32
    "tpu.region"() ({
      %run_scoped3A = tpu.sem_alloc : memref<!tpu.dma_semaphore, #tpu.memory_space<semaphore_mem>>
      %dma_start3A = arith.constant 0 : i32
      %dma_start3A_22 = tpu.memref_slice %arg10[%mul3A_8, %dma_start3A] : memref<10240x128xf32, #tpu.memory_space<vmem_shared>> -> memref<640x128xf32, #tpu.memory_space<vmem_shared>>
      %dma_start3A_23 = arith.constant 0 : i32
      %dma_start3A_24 = tpu.memref_slice %arg5[%mul3A_6, %dma_start3A_23] : memref<10240x128xf32, #tpu.memory_space<hbm>> -> memref<640x128xf32, #tpu.memory_space<hbm>>
      tpu.enqueue_dma source(%dma_start3A_24 : memref<640x128xf32, #tpu.memory_space<hbm>>) target(%dma_start3A_22 : memref<640x128xf32, #tpu.memory_space<vmem_shared>>) target_semaphore(%run_scoped3A : memref<!tpu.dma_semaphore, #tpu.memory_space<semaphore_mem>>)
      %dma_wait3A = arith.constant 0 : i32
      %dma_wait3A_25 = tpu.memref_slice %arg10[%mul3A_8, %dma_wait3A] : memref<10240x128xf32, #tpu.memory_space<vmem_shared>> -> memref<640x128xf32, #tpu.memory_space<vmem_shared>>
      %dma_wait3A_26 = arith.constant 0 : i32
      %dma_wait3A_27 = tpu.memref_slice %arg5[%mul3A_6, %dma_wait3A_26] : memref<10240x128xf32, #tpu.memory_space<hbm>> -> memref<640x128xf32, #tpu.memory_space<hbm>>
      tpu.wait_dma2 semaphore(%run_scoped3A : memref<!tpu.dma_semaphore, #tpu.memory_space<semaphore_mem>>) src(%dma_wait3A_27 : memref<640x128xf32, #tpu.memory_space<hbm>>) dst(%dma_wait3A_25 : memref<640x128xf32, #tpu.memory_space<vmem_shared>>)
      tpu.yield
    }) : () -> ()
    %barrier3A = arith.constant 0 : index
    tpu.barrier barrier_id(%barrier3A)
    %scan3A = arith.constant 0 : i32
    %scan3A_9 = arith.constant 0 : i32
    %scan3A_10 = arith.constant 2 : i32
    %scan3A_11 = arith.addi %scan3A_9, %scan3A_10 : i32
    %scan3A_12 = arith.constant 1 : i32
    scf.for %scan3A_22 = %scan3A_9 to %scan3A_11 step %scan3A_12  : i32 {
      %mul3A_23 = arith.constant 80 : i32
      %mul3A_24 = arith.muli %scan3A_22, %mul3A_23 : i32
      %add3A_25 = arith.addi %add3A, %mul3A_24 : i32
      "tpu.region"() ({
        %run_scoped3A = tpu.sem_alloc : memref<!tpu.dma_semaphore, #tpu.memory_space<semaphore_mem>>
        %dma_start3A = arith.constant 0 : i32
        %dma_start3A_35 = tpu.memref_slice %arg3[%add3A_25, %dma_start3A] : memref<5120x128xi32, #tpu.memory_space<hbm>> -> memref<80x128xi32, #tpu.memory_space<hbm>>
        %dma_start3A_36 = arith.constant 0 : i32
        %dma_start3A_37 = tpu.memref_slice %arg3[%add3A_25, %dma_start3A_36] : memref<5120x128xi32, #tpu.memory_space<hbm>> -> memref<80x128xi32, #tpu.memory_space<hbm>>
        tpu.enqueue_dma source(%dma_start3A_37 : memref<80x128xi32, #tpu.memory_space<hbm>>) target(%arg7 : memref<80x128xi32, #tpu.memory_space<vmem>>) target_semaphore(%run_scoped3A : memref<!tpu.dma_semaphore, #tpu.memory_space<semaphore_mem>>)
        %dma_wait3A = arith.constant 0 : i32
        %dma_wait3A_38 = tpu.memref_slice %arg3[%add3A_25, %dma_wait3A] : memref<5120x128xi32, #tpu.memory_space<hbm>> -> memref<80x128xi32, #tpu.memory_space<hbm>>
        %dma_wait3A_39 = arith.constant 0 : i32
        %dma_wait3A_40 = tpu.memref_slice %arg3[%add3A_25, %dma_wait3A_39] : memref<5120x128xi32, #tpu.memory_space<hbm>> -> memref<80x128xi32, #tpu.memory_space<hbm>>
        tpu.wait_dma2 semaphore(%run_scoped3A : memref<!tpu.dma_semaphore, #tpu.memory_space<semaphore_mem>>) src(%dma_wait3A_40 : memref<80x128xi32, #tpu.memory_space<hbm>>) dst(%arg7 : memref<80x128xi32, #tpu.memory_space<vmem>>)
        tpu.yield
      }) : () -> ()
      %mul3A_26 = arith.constant 80 : i32
      %mul3A_27 = arith.muli %scan3A_22, %mul3A_26 : i32
      %add3A_28 = arith.addi %mul3A_4, %mul3A_27 : i32
      "tpu.region"() ({
        %run_scoped3A = tpu.sem_alloc : memref<!tpu.dma_semaphore, #tpu.memory_space<semaphore_mem>>
        %dma_start3A = arith.constant 0 : i32
        %dma_start3A_35 = tpu.memref_slice %arg4[%add3A_28, %dma_start3A] : memref<2560x128xi32, #tpu.memory_space<hbm>> -> memref<80x128xi32, #tpu.memory_space<hbm>>
        %dma_start3A_36 = arith.constant 0 : i32
        %dma_start3A_37 = tpu.memref_slice %arg4[%add3A_28, %dma_start3A_36] : memref<2560x128xi32, #tpu.memory_space<hbm>> -> memref<80x128xi32, #tpu.memory_space<hbm>>
        tpu.enqueue_dma source(%dma_start3A_37 : memref<80x128xi32, #tpu.memory_space<hbm>>) target(%arg8 : memref<80x128xi32, #tpu.memory_space<vmem>>) target_semaphore(%run_scoped3A : memref<!tpu.dma_semaphore, #tpu.memory_space<semaphore_mem>>)
        %dma_wait3A = arith.constant 0 : i32
        %dma_wait3A_38 = tpu.memref_slice %arg4[%add3A_28, %dma_wait3A] : memref<2560x128xi32, #tpu.memory_space<hbm>> -> memref<80x128xi32, #tpu.memory_space<hbm>>
        %dma_wait3A_39 = arith.constant 0 : i32
        %dma_wait3A_40 = tpu.memref_slice %arg4[%add3A_28, %dma_wait3A_39] : memref<2560x128xi32, #tpu.memory_space<hbm>> -> memref<80x128xi32, #tpu.memory_space<hbm>>
        tpu.wait_dma2 semaphore(%run_scoped3A : memref<!tpu.dma_semaphore, #tpu.memory_space<semaphore_mem>>) src(%dma_wait3A_40 : memref<80x128xi32, #tpu.memory_space<hbm>>) dst(%arg8 : memref<80x128xi32, #tpu.memory_space<vmem>>)
        tpu.yield
      }) : () -> ()
      %scan3A_29 = arith.constant 0 : i32
      %scan3A_30 = arith.constant 0 : i32
      %scan3A_31 = arith.constant 80 : i32
      %scan3A_32 = arith.addi %scan3A_30, %scan3A_31 : i32
      %scan3A_33 = arith.constant 1 : i32
      scf.for %scan3A_35 = %scan3A_30 to %scan3A_32 step %scan3A_33  : i32 {
        %dma_start3A = arith.constant 0 : i32
        %dma_start3A_36 = tpu.memref_slice %arg7[%scan3A_35, %dma_start3A] : memref<80x128xi32, #tpu.memory_space<vmem>> -> memref<1x128xi32, #tpu.memory_space<vmem>>
        %dma_start3A_37 = tpu.memref_squeeze %dma_start3A_36 : memref<1x128xi32, #tpu.memory_space<vmem>> -> memref<128xi32, #tpu.memory_space<vmem>>
        %dma_start3A_38 = arith.constant 0 : i32
        %dma_start3A_39 = arith.constant 0 : i32
        %dma_start3A_40 = tpu.memref_slice %arg2[%dma_start3A_38, %dma_start3A_39] : memref<20480x128xf32, #tpu.memory_space<hbm>> -> memref<20480x128xf32, #tpu.memory_space<hbm>>
        tpu.enqueue_indirect_dma source(%dma_start3A_40 : memref<20480x128xf32, #tpu.memory_space<hbm>>) target(%arg9 : memref<128x128xf32, #tpu.memory_space<vmem>>) offsets(%dma_start3A_37 : memref<128xi32, #tpu.memory_space<vmem>>) semaphore(%arg11 : memref<!tpu.dma_semaphore, #tpu.memory_space<semaphore_mem>>)
        %dma_wait3A = arith.constant 0 : i32
        %dma_wait3A_41 = tpu.memref_slice %arg7[%scan3A_35, %dma_wait3A] : memref<80x128xi32, #tpu.memory_space<vmem>> -> memref<1x128xi32, #tpu.memory_space<vmem>>
        %dma_wait3A_42 = tpu.memref_squeeze %dma_wait3A_41 : memref<1x128xi32, #tpu.memory_space<vmem>> -> memref<128xi32, #tpu.memory_space<vmem>>
        %dma_wait3A_43 = arith.constant 0 : i32
        %dma_wait3A_44 = arith.constant 0 : i32
        %dma_wait3A_45 = tpu.memref_slice %arg2[%dma_wait3A_43, %dma_wait3A_44] : memref<20480x128xf32, #tpu.memory_space<hbm>> -> memref<20480x128xf32, #tpu.memory_space<hbm>>
        tpu.wait_indirect_dma semaphore(%arg11 : memref<!tpu.dma_semaphore, #tpu.memory_space<semaphore_mem>>) src(%dma_wait3A_45 : memref<20480x128xf32, #tpu.memory_space<hbm>>) dst(%arg9 : memref<128x128xf32, #tpu.memory_space<vmem>>)
        "tpu.region"() ({
          %run_scoped3A = tpu.sem_alloc : memref<!tpu.dma_semaphore, #tpu.memory_space<semaphore_mem>>
          %dma_start3A_46 = arith.constant 0 : i32
          %dma_start3A_47 = tpu.memref_slice %arg8[%scan3A_35, %dma_start3A_46] : memref<80x128xi32, #tpu.memory_space<vmem>> -> memref<1x128xi32, #tpu.memory_space<vmem>>
          %dma_start3A_48 = tpu.memref_squeeze %dma_start3A_47 : memref<1x128xi32, #tpu.memory_space<vmem>> -> memref<128xi32, #tpu.memory_space<vmem>>
          %dma_start3A_49 = arith.constant 0 : i32
          %dma_start3A_50 = arith.constant 0 : i32
          %dma_start3A_51 = tpu.memref_slice %arg10[%dma_start3A_49, %dma_start3A_50] : memref<10240x128xf32, #tpu.memory_space<vmem_shared>> -> memref<10240x128xf32, #tpu.memory_space<vmem_shared>>
          tpu.enqueue_indirect_dma source(%arg9 : memref<128x128xf32, #tpu.memory_space<vmem>>) target(%dma_start3A_51 : memref<10240x128xf32, #tpu.memory_space<vmem_shared>>) offsets(%dma_start3A_48 : memref<128xi32, #tpu.memory_space<vmem>>) semaphore(%run_scoped3A : memref<!tpu.dma_semaphore, #tpu.memory_space<semaphore_mem>>) {add = true}
          %dma_wait3A_52 = arith.constant 0 : i32
          %dma_wait3A_53 = tpu.memref_slice %arg8[%scan3A_35, %dma_wait3A_52] : memref<80x128xi32, #tpu.memory_space<vmem>> -> memref<1x128xi32, #tpu.memory_space<vmem>>
          %dma_wait3A_54 = tpu.memref_squeeze %dma_wait3A_53 : memref<1x128xi32, #tpu.memory_space<vmem>> -> memref<128xi32, #tpu.memory_space<vmem>>
          %dma_wait3A_55 = arith.constant 0 : i32
          %dma_wait3A_56 = arith.constant 0 : i32
          %dma_wait3A_57 = tpu.memref_slice %arg10[%dma_wait3A_55, %dma_wait3A_56] : memref<10240x128xf32, #tpu.memory_space<vmem_shared>> -> memref<10240x128xf32, #tpu.memory_space<vmem_shared>>
          tpu.wait_indirect_dma semaphore(%run_scoped3A : memref<!tpu.dma_semaphore, #tpu.memory_space<semaphore_mem>>) src(%arg9 : memref<128x128xf32, #tpu.memory_space<vmem>>) dst(%dma_wait3A_57 : memref<10240x128xf32, #tpu.memory_space<vmem_shared>>)
          tpu.yield
        }) : () -> ()
      }
      %scan3A_34 = arith.constant 80 : i32
    }
    %scan3A_13 = arith.constant 2 : i32
    %barrier3A_14 = arith.constant 0 : index
    tpu.barrier barrier_id(%barrier3A_14)
    %mul3A_15 = arith.constant 640 : i32
    %mul3A_16 = arith.muli %arg1, %mul3A_15 : i32
    %mul3A_17 = arith.constant 10240 : i32
    %mul3A_18 = arith.muli %arg0, %mul3A_17 : i32
    %mul3A_19 = arith.constant 640 : i32
    %mul3A_20 = arith.muli %arg1, %mul3A_19 : i32
    %add3A_21 = arith.addi %mul3A_18, %mul3A_20 : i32
    "tpu.region"() ({
      %run_scoped3A = tpu.sem_alloc : memref<!tpu.dma_semaphore, #tpu.memory_space<semaphore_mem>>
      %dma_start3A = arith.constant 0 : i32
      %dma_start3A_22 = tpu.memref_slice %arg6[%add3A_21, %dma_start3A] : memref<20480x128xf32, #tpu.memory_space<hbm>> -> memref<640x128xf32, #tpu.memory_space<hbm>>
      %dma_start3A_23 = arith.constant 0 : i32
      %dma_start3A_24 = tpu.memref_slice %arg10[%mul3A_16, %dma_start3A_23] : memref<10240x128xf32, #tpu.memory_space<vmem_shared>> -> memref<640x128xf32, #tpu.memory_space<vmem_shared>>
      tpu.enqueue_dma source(%dma_start3A_24 : memref<640x128xf32, #tpu.memory_space<vmem_shared>>) target(%dma_start3A_22 : memref<640x128xf32, #tpu.memory_space<hbm>>) target_semaphore(%run_scoped3A : memref<!tpu.dma_semaphore, #tpu.memory_space<semaphore_mem>>)
      %dma_wait3A = arith.constant 0 : i32
      %dma_wait3A_25 = tpu.memref_slice %arg6[%add3A_21, %dma_wait3A] : memref<20480x128xf32, #tpu.memory_space<hbm>> -> memref<640x128xf32, #tpu.memory_space<hbm>>
      %dma_wait3A_26 = arith.constant 0 : i32
      %dma_wait3A_27 = tpu.memref_slice %arg10[%mul3A_16, %dma_wait3A_26] : memref<10240x128xf32, #tpu.memory_space<vmem_shared>> -> memref<640x128xf32, #tpu.memory_space<vmem_shared>>
      tpu.wait_dma2 semaphore(%run_scoped3A : memref<!tpu.dma_semaphore, #tpu.memory_space<semaphore_mem>>) src(%dma_wait3A_27 : memref<640x128xf32, #tpu.memory_space<vmem_shared>>) dst(%dma_wait3A_25 : memref<640x128xf32, #tpu.memory_space<hbm>>)
      tpu.yield
    }) : () -> ()
    return
  }
}

module attributes {stable_mosaic.version = 14 : i64} {
  func.func @_tc_a_body(%arg0: i32, %arg1: memref<256x128xf32, #tpu.memory_space<vmem>>, %arg2: memref<128x256xf32, #tpu.memory_space<vmem>>, %arg3: memref<2x256xf32, #tpu.memory_space<vmem>>, %arg4: memref<2x256x128xf32, #tpu.memory_space<vmem>>, %arg5: memref<256xf32, #tpu.memory_space<vmem>>) attributes {dimension_semantics = [#tpu.dimension_semantics<arbitrary>], iteration_bounds = array<i64: 40>, scalar_prefetch = 0 : i64, scratch_operands = 0 : i64, tpu.core_type = #tpu.core_type<tc>, window_params = [{transform_indices = @transform_0, window_bounds = array<i64: 256, 128>}, {pipeline_mode = #tpu.pipeline_mode<synchronous>, transform_indices = @transform_1, window_bounds = array<i64: 128, 256>}, {transform_indices = @transform_2, window_bounds = array<i64: 2, 256>}, {transform_indices = @transform_3, window_bounds = array<i64: 2, 256, 128>}, {transform_indices = @transform_4, window_bounds = array<i64: 256>}]} {
    %get3A = arith.constant 0 : index
    %get3A_0 = arith.constant 0 : index
    %get3A_1 = vector.load %arg3[%get3A, %get3A_0] : memref<2x256xf32, #tpu.memory_space<vmem>>, vector<1x256xf32>
    %get3A_2 = vector.shape_cast %get3A_1 : vector<1x256xf32> to vector<256xf32>
    %get3A_3 = arith.constant 1 : index
    %get3A_4 = arith.constant 0 : index
    %get3A_5 = vector.load %arg3[%get3A_3, %get3A_4] : memref<2x256xf32, #tpu.memory_space<vmem>>, vector<1x256xf32>
    %get3A_6 = vector.shape_cast %get3A_5 : vector<1x256xf32> to vector<256xf32>
    %add3A = arith.addf %get3A_2, %get3A_6 : vector<256xf32>
    %add3A_7 = arith.constant 1.000000e+00 : f32
    %add3A_8 = vector.broadcast %add3A_7 : f32 to vector<256xf32>
    %add3A_9 = arith.addf %add3A, %add3A_8 : vector<256xf32>
    %rsqrt3A = math.rsqrt %add3A_9 : vector<256xf32>
    %get3A_10 = arith.constant 0 : index
    %get3A_11 = arith.constant 0 : index
    %get3A_12 = vector.load %arg1[%get3A_10, %get3A_11] : memref<256x128xf32, #tpu.memory_space<vmem>>, vector<256x128xf32>
    %get3A_13 = arith.constant 0 : index
    %get3A_14 = arith.constant 0 : index
    %get3A_15 = vector.load %arg2[%get3A_13, %get3A_14] : memref<128x256xf32, #tpu.memory_space<vmem>>, vector<128x256xf32>
    %dot_general3A = arith.constant dense<0.000000e+00> : vector<256x256xf32>
    %dot_general3A_16 = tpu.matmul %get3A_12, %get3A_15, %dot_general3A {dimension_numbers = #tpu.dot_dimension_numbers<[1], [0], [0], [1], [0, 0, 1, 1], [], []>, transpose_lhs_hint = false} : vector<256x128xf32>, vector<128x256xf32>, vector<256x256xf32> -> vector<256x256xf32>
    %broadcast_in_dim3A = vector.shape_cast %rsqrt3A : vector<256xf32> to vector<256x1xf32>
    %mul3A = vector.broadcast %broadcast_in_dim3A : vector<256x1xf32> to vector<256x256xf32>
    %mul3A_17 = arith.mulf %dot_general3A_16, %mul3A : vector<256x256xf32>
    %slice3A = vector.extract_strided_slice %mul3A_17 {offsets = [0, 0], sizes = [256, 128], strides = [1, 1]} : vector<256x256xf32> to vector<256x128xf32>
    %swap3A = arith.constant 0 : index
    %swap3A_18 = arith.constant 0 : index
    %swap3A_19 = arith.constant 0 : index
    %swap3A_20 = vector.load %arg4[%swap3A, %swap3A_18, %swap3A_19] : memref<2x256x128xf32, #tpu.memory_space<vmem>>, vector<1x256x128xf32>
    %swap3A_21 = vector.shape_cast %swap3A_20 : vector<1x256x128xf32> to vector<256x128xf32>
    %swap3A_22 = vector.shape_cast %slice3A : vector<256x128xf32> to vector<1x256x128xf32>
    tpu.vector_store %arg4[%swap3A, %swap3A_18, %swap3A_19], %swap3A_22 {strides = array<i32>} : memref<2x256x128xf32, #tpu.memory_space<vmem>>, vector<1x256x128xf32>,
    %slice3A_23 = vector.extract_strided_slice %mul3A_17 {offsets = [0, 128], sizes = [256, 128], strides = [1, 1]} : vector<256x256xf32> to vector<256x128xf32>
    %swap3A_24 = arith.constant 1 : index
    %swap3A_25 = arith.constant 0 : index
    %swap3A_26 = arith.constant 0 : index
    %swap3A_27 = vector.load %arg4[%swap3A_24, %swap3A_25, %swap3A_26] : memref<2x256x128xf32, #tpu.memory_space<vmem>>, vector<1x256x128xf32>
    %swap3A_28 = vector.shape_cast %swap3A_27 : vector<1x256x128xf32> to vector<256x128xf32>
    %swap3A_29 = vector.shape_cast %slice3A_23 : vector<256x128xf32> to vector<1x256x128xf32>
    tpu.vector_store %arg4[%swap3A_24, %swap3A_25, %swap3A_26], %swap3A_29 {strides = array<i32>} : memref<2x256x128xf32, #tpu.memory_space<vmem>>, vector<1x256x128xf32>,
    %swap3A_30 = arith.constant 0 : index
    %swap3A_31 = vector.load %arg5[%swap3A_30] : memref<256xf32, #tpu.memory_space<vmem>>, vector<256xf32>
    tpu.vector_store %arg5[%swap3A_30], %rsqrt3A {strides = array<i32>} : memref<256xf32, #tpu.memory_space<vmem>>, vector<256xf32>,
    return
  }
  func.func @transform_0(%arg0: i32) -> (i32, i32) {
    %c0_i32 = arith.constant 0 : i32
    %c0_i32_0 = arith.constant 0 : i32
    return %arg0, %c0_i32 : i32, i32
  }
  func.func @transform_1(%arg0: i32) -> (i32, i32) {
    %c0_i32 = arith.constant 0 : i32
    %c0_i32_0 = arith.constant 0 : i32
    %c0_i32_1 = arith.constant 0 : i32
    return %c0_i32, %c0_i32_0 : i32, i32
  }
  func.func @transform_2(%arg0: i32) -> (i32, i32) {
    %c0_i32 = arith.constant 0 : i32
    %c0_i32_0 = arith.constant 0 : i32
    return %c0_i32, %arg0 : i32, i32
  }
  func.func @transform_3(%arg0: i32) -> (i32, i32, i32) {
    %c0_i32 = arith.constant 0 : i32
    %c0_i32_0 = arith.constant 0 : i32
    %c0_i32_1 = arith.constant 0 : i32
    return %c0_i32, %arg0, %c0_i32_0 : i32, i32, i32
  }
  func.func @transform_4(%arg0: i32) -> i32 {
    %c0_i32 = arith.constant 0 : i32
    return %arg0 : i32
  }
}

module attributes {stable_mosaic.version = 14 : i64} {
  func.func @_tc_b_body(%arg0: i32, %arg1: memref<2x256x128xf32, #tpu.memory_space<vmem>>, %arg2: memref<2x256x128xf32, #tpu.memory_space<vmem>>, %arg3: memref<256xf32, #tpu.memory_space<vmem>>, %arg4: memref<256xf32, #tpu.memory_space<vmem>>, %arg5: memref<256x128xf32, #tpu.memory_space<vmem>>, %arg6: memref<256x128xf32, #tpu.memory_space<vmem>>) attributes {dimension_semantics = [#tpu.dimension_semantics<arbitrary>], iteration_bounds = array<i64: 40>, scalar_prefetch = 0 : i64, scratch_operands = 0 : i64, tpu.core_type = #tpu.core_type<tc>, window_params = [{transform_indices = @transform_0, window_bounds = array<i64: 2, 256, 128>}, {transform_indices = @transform_1, window_bounds = array<i64: 2, 256, 128>}, {transform_indices = @transform_2, window_bounds = array<i64: 256>}, {pipeline_mode = #tpu.pipeline_mode<synchronous>, transform_indices = @transform_3, window_bounds = array<i64: 256>}, {pipeline_mode = #tpu.pipeline_mode<synchronous>, transform_indices = @transform_4, window_bounds = array<i64: 256, 128>}, {transform_indices = @transform_5, window_bounds = array<i64: 256, 128>}]} {
    %get3A = arith.constant 0 : index
    %get3A_0 = vector.load %arg3[%get3A] : memref<256xf32, #tpu.memory_space<vmem>>, vector<256xf32>
    %get3A_1 = arith.constant 0 : index
    %get3A_2 = vector.load %arg4[%get3A_1] : memref<256xf32, #tpu.memory_space<vmem>>, vector<256xf32>
    %broadcast_in_dim3A = vector.shape_cast %get3A_0 : vector<256xf32> to vector<256x1xf32>
    %get3A_3 = arith.constant 0 : index
    %get3A_4 = arith.constant 0 : index
    %get3A_5 = arith.constant 0 : index
    %get3A_6 = vector.load %arg1[%get3A_3, %get3A_4, %get3A_5] : memref<2x256x128xf32, #tpu.memory_space<vmem>>, vector<1x256x128xf32>
    %get3A_7 = vector.shape_cast %get3A_6 : vector<1x256x128xf32> to vector<256x128xf32>
    %get3A_8 = arith.constant 0 : index
    %get3A_9 = arith.constant 0 : index
    %get3A_10 = arith.constant 0 : index
    %get3A_11 = vector.load %arg2[%get3A_8, %get3A_9, %get3A_10] : memref<2x256x128xf32, #tpu.memory_space<vmem>>, vector<1x256x128xf32>
    %get3A_12 = vector.shape_cast %get3A_11 : vector<1x256x128xf32> to vector<256x128xf32>
    %add3A = arith.addf %get3A_7, %get3A_12 : vector<256x128xf32>
    %mul3A = vector.broadcast %broadcast_in_dim3A : vector<256x1xf32> to vector<256x128xf32>
    %mul3A_13 = arith.mulf %mul3A, %add3A : vector<256x128xf32>
    %slice3A = vector.extract_strided_slice %get3A_2 {offsets = [0], sizes = [128], strides = [1]} : vector<256xf32> to vector<128xf32>
    %broadcast_in_dim3A_14 = vector.shape_cast %slice3A : vector<128xf32> to vector<1x128xf32>
    %add3A_15 = vector.broadcast %broadcast_in_dim3A_14 : vector<1x128xf32> to vector<256x128xf32>
    %add3A_16 = arith.addf %mul3A_13, %add3A_15 : vector<256x128xf32>
    %max3A = arith.constant 0.000000e+00 : f32
    %max3A_17 = vector.broadcast %max3A : f32 to vector<256x128xf32>
    %max3A_18 = arith.maximumf %add3A_16, %max3A_17 : vector<256x128xf32>
    %broadcast_in_dim3A_19 = vector.shape_cast %get3A_0 : vector<256xf32> to vector<256x1xf32>
    %get3A_20 = arith.constant 1 : index
    %get3A_21 = arith.constant 0 : index
    %get3A_22 = arith.constant 0 : index
    %get3A_23 = vector.load %arg1[%get3A_20, %get3A_21, %get3A_22] : memref<2x256x128xf32, #tpu.memory_space<vmem>>, vector<1x256x128xf32>
    %get3A_24 = vector.shape_cast %get3A_23 : vector<1x256x128xf32> to vector<256x128xf32>
    %get3A_25 = arith.constant 1 : index
    %get3A_26 = arith.constant 0 : index
    %get3A_27 = arith.constant 0 : index
    %get3A_28 = vector.load %arg2[%get3A_25, %get3A_26, %get3A_27] : memref<2x256x128xf32, #tpu.memory_space<vmem>>, vector<1x256x128xf32>
    %get3A_29 = vector.shape_cast %get3A_28 : vector<1x256x128xf32> to vector<256x128xf32>
    %add3A_30 = arith.addf %get3A_24, %get3A_29 : vector<256x128xf32>
    %mul3A_31 = vector.broadcast %broadcast_in_dim3A_19 : vector<256x1xf32> to vector<256x128xf32>
    %mul3A_32 = arith.mulf %mul3A_31, %add3A_30 : vector<256x128xf32>
    %slice3A_33 = vector.extract_strided_slice %get3A_2 {offsets = [128], sizes = [128], strides = [1]} : vector<256xf32> to vector<128xf32>
    %broadcast_in_dim3A_34 = vector.shape_cast %slice3A_33 : vector<128xf32> to vector<1x128xf32>
    %add3A_35 = vector.broadcast %broadcast_in_dim3A_34 : vector<1x128xf32> to vector<256x128xf32>
    %add3A_36 = arith.addf %mul3A_32, %add3A_35 : vector<256x128xf32>
    %max3A_37 = arith.constant 0.000000e+00 : f32
    %max3A_38 = vector.broadcast %max3A_37 : f32 to vector<256x128xf32>
    %max3A_39 = arith.maximumf %add3A_36, %max3A_38 : vector<256x128xf32>
    %get3A_40 = arith.constant 0 : index
    %get3A_41 = arith.constant 0 : index
    %get3A_42 = vector.load %arg5[%get3A_40, %get3A_41] : memref<256x128xf32, #tpu.memory_space<vmem>>, vector<256x128xf32>
    %slice3A_43 = vector.extract_strided_slice %get3A_42 {offsets = [0, 0], sizes = [128, 128], strides = [1, 1]} : vector<256x128xf32> to vector<128x128xf32>
    %dot_general3A = arith.constant dense<0.000000e+00> : vector<256x128xf32>
    %dot_general3A_44 = tpu.matmul %max3A_18, %slice3A_43, %dot_general3A {dimension_numbers = #tpu.dot_dimension_numbers<[1], [0], [0], [1], [0, 0, 1, 1], [], []>, transpose_lhs_hint = false} : vector<256x128xf32>, vector<128x128xf32>, vector<256x128xf32> -> vector<256x128xf32>
    %slice3A_45 = vector.extract_strided_slice %get3A_42 {offsets = [128, 0], sizes = [128, 128], strides = [1, 1]} : vector<256x128xf32> to vector<128x128xf32>
    %dot_general3A_46 = arith.constant dense<0.000000e+00> : vector<256x128xf32>
    %dot_general3A_47 = tpu.matmul %max3A_39, %slice3A_45, %dot_general3A_46 {dimension_numbers = #tpu.dot_dimension_numbers<[1], [0], [0], [1], [0, 0, 1, 1], [], []>, transpose_lhs_hint = false} : vector<256x128xf32>, vector<128x128xf32>, vector<256x128xf32> -> vector<256x128xf32>
    %add3A_48 = arith.addf %dot_general3A_44, %dot_general3A_47 : vector<256x128xf32>
    %broadcast_in_dim3A_49 = vector.shape_cast %get3A_0 : vector<256xf32> to vector<256x1xf32>
    %mul3A_50 = vector.broadcast %broadcast_in_dim3A_49 : vector<256x1xf32> to vector<256x128xf32>
    %mul3A_51 = arith.mulf %add3A_48, %mul3A_50 : vector<256x128xf32>
    %swap3A = arith.constant 0 : index
    %swap3A_52 = arith.constant 0 : index
    %swap3A_53 = vector.load %arg6[%swap3A, %swap3A_52] : memref<256x128xf32, #tpu.memory_space<vmem>>, vector<256x128xf32>
    tpu.vector_store %arg6[%swap3A, %swap3A_52], %mul3A_51 {strides = array<i32>} : memref<256x128xf32, #tpu.memory_space<vmem>>, vector<256x128xf32>,
    return
  }
  func.func @transform_0(%arg0: i32) -> (i32, i32, i32) {
    %c0_i32 = arith.constant 0 : i32
    %c0_i32_0 = arith.constant 0 : i32
    %c0_i32_1 = arith.constant 0 : i32
    return %c0_i32, %arg0, %c0_i32_0 : i32, i32, i32
  }
  func.func @transform_1(%arg0: i32) -> (i32, i32, i32) {
    %c0_i32 = arith.constant 0 : i32
    %c0_i32_0 = arith.constant 0 : i32
    %c0_i32_1 = arith.constant 0 : i32
    return %c0_i32, %arg0, %c0_i32_0 : i32, i32, i32
  }
  func.func @transform_2(%arg0: i32) -> i32 {
    %c0_i32 = arith.constant 0 : i32
    return %arg0 : i32
  }
  func.func @transform_3(%arg0: i32) -> i32 {
    %c0_i32 = arith.constant 0 : i32
    %c0_i32_0 = arith.constant 0 : i32
    return %c0_i32 : i32
  }
  func.func @transform_4(%arg0: i32) -> (i32, i32) {
    %c0_i32 = arith.constant 0 : i32
    %c0_i32_0 = arith.constant 0 : i32
    %c0_i32_1 = arith.constant 0 : i32
    return %c0_i32, %c0_i32_0 : i32, i32
  }
  func.func @transform_5(%arg0: i32) -> (i32, i32) {
    %c0_i32 = arith.constant 0 : i32
    %c0_i32_0 = arith.constant 0 : i32
    return %arg0, %c0_i32 : i32, i32
  }
}

module attributes {stable_mosaic.version = 14 : i64} {
  func.func @_tc_c_body(%arg0: i32, %arg1: memref<2x256x128xf32, #tpu.memory_space<vmem>>, %arg2: memref<256x128xf32, #tpu.memory_space<vmem>>, %arg3: memref<256xf32, #tpu.memory_space<vmem>>, %arg4: memref<128xf32, #tpu.memory_space<vmem>>, %arg5: memref<256x128xf32, #tpu.memory_space<vmem>>) attributes {dimension_semantics = [#tpu.dimension_semantics<arbitrary>], iteration_bounds = array<i64: 40>, scalar_prefetch = 0 : i64, scratch_operands = 0 : i64, tpu.core_type = #tpu.core_type<tc>, window_params = [{transform_indices = @transform_0, window_bounds = array<i64: 2, 256, 128>}, {transform_indices = @transform_1, window_bounds = array<i64: 256, 128>}, {transform_indices = @transform_2, window_bounds = array<i64: 256>}, {pipeline_mode = #tpu.pipeline_mode<synchronous>, transform_indices = @transform_3, window_bounds = array<i64: 128>}, {transform_indices = @transform_4, window_bounds = array<i64: 256, 128>}]} {
    %get3A = arith.constant 0 : index
    %get3A_0 = vector.load %arg3[%get3A] : memref<256xf32, #tpu.memory_space<vmem>>, vector<256xf32>
    %get3A_1 = arith.constant 0 : index
    %get3A_2 = arith.constant 0 : index
    %get3A_3 = arith.constant 0 : index
    %get3A_4 = vector.load %arg1[%get3A_1, %get3A_2, %get3A_3] : memref<2x256x128xf32, #tpu.memory_space<vmem>>, vector<1x256x128xf32>
    %get3A_5 = vector.shape_cast %get3A_4 : vector<1x256x128xf32> to vector<256x128xf32>
    %get3A_6 = arith.constant 1 : index
    %get3A_7 = arith.constant 0 : index
    %get3A_8 = arith.constant 0 : index
    %get3A_9 = vector.load %arg1[%get3A_6, %get3A_7, %get3A_8] : memref<2x256x128xf32, #tpu.memory_space<vmem>>, vector<1x256x128xf32>
    %get3A_10 = vector.shape_cast %get3A_9 : vector<1x256x128xf32> to vector<256x128xf32>
    %add3A = arith.addf %get3A_5, %get3A_10 : vector<256x128xf32>
    %get3A_11 = arith.constant 0 : index
    %get3A_12 = arith.constant 0 : index
    %get3A_13 = vector.load %arg2[%get3A_11, %get3A_12] : memref<256x128xf32, #tpu.memory_space<vmem>>, vector<256x128xf32>
    %add3A_14 = arith.addf %add3A, %get3A_13 : vector<256x128xf32>
    %broadcast_in_dim3A = vector.shape_cast %get3A_0 : vector<256xf32> to vector<256x1xf32>
    %mul3A = vector.broadcast %broadcast_in_dim3A : vector<256x1xf32> to vector<256x128xf32>
    %mul3A_15 = arith.mulf %mul3A, %add3A_14 : vector<256x128xf32>
    %get3A_16 = arith.constant 0 : index
    %get3A_17 = vector.load %arg4[%get3A_16] : memref<128xf32, #tpu.memory_space<vmem>>, vector<128xf32>
    %broadcast_in_dim3A_18 = vector.shape_cast %get3A_17 : vector<128xf32> to vector<1x128xf32>
    %add3A_19 = vector.broadcast %broadcast_in_dim3A_18 : vector<1x128xf32> to vector<256x128xf32>
    %add3A_20 = arith.addf %mul3A_15, %add3A_19 : vector<256x128xf32>
    %max3A = arith.constant 0.000000e+00 : f32
    %max3A_21 = vector.broadcast %max3A : f32 to vector<256x128xf32>
    %max3A_22 = arith.maximumf %add3A_20, %max3A_21 : vector<256x128xf32>
    %swap3A = arith.constant 0 : index
    %swap3A_23 = arith.constant 0 : index
    %swap3A_24 = vector.load %arg5[%swap3A, %swap3A_23] : memref<256x128xf32, #tpu.memory_space<vmem>>, vector<256x128xf32>
    tpu.vector_store %arg5[%swap3A, %swap3A_23], %max3A_22 {strides = array<i32>} : memref<256x128xf32, #tpu.memory_space<vmem>>, vector<256x128xf32>,
    return
  }
  func.func @transform_0(%arg0: i32) -> (i32, i32, i32) {
    %c0_i32 = arith.constant 0 : i32
    %c0_i32_0 = arith.constant 0 : i32
    %c0_i32_1 = arith.constant 0 : i32
    return %c0_i32, %arg0, %c0_i32_0 : i32, i32, i32
  }
  func.func @transform_1(%arg0: i32) -> (i32, i32) {
    %c0_i32 = arith.constant 0 : i32
    %c0_i32_0 = arith.constant 0 : i32
    return %arg0, %c0_i32 : i32, i32
  }
  func.func @transform_2(%arg0: i32) -> i32 {
    %c0_i32 = arith.constant 0 : i32
    return %arg0 : i32
  }
  func.func @transform_3(%arg0: i32) -> i32 {
    %c0_i32 = arith.constant 0 : i32
    %c0_i32_0 = arith.constant 0 : i32
    return %c0_i32 : i32
  }
  func.func @transform_4(%arg0: i32) -> (i32, i32) {
    %c0_i32 = arith.constant 0 : i32
    %c0_i32_0 = arith.constant 0 : i32
    return %arg0, %c0_i32 : i32, i32
  }
}

</mosaic_0001>

<sc_bundles>
// kernel: kernel.11.cloned.1.call-start
scs
__scs_entry_jumppad:
0x0: {  	(pc) =	sbr.rel $0x88, $3  }
0x1: {  	(tag) =	ssettag $0x0;
	lr =	simm.s32 $0x1  }
0x2: {  	[smem:$0x3F9B] =	sst lr;
	_ =	strace $0xD0000000  }
0x3: {  	_ = 	snop  }
0x4: {  	_ = 	snop  }
0x5: {  	_ = 	snop  }
0x6: {  	_ = 	snop  }
0x7: {  	_ = 	snop  }
__scs_overlays_trampoline_lowered:
0x8: {  	[smem:$0x3FAA] =	sst s0  }
0x9: {  	[smem:$0x3FAB] =	sst s1  }
0xa: {  	[smem:$0x3FAC] =	sst s2  }
0xb: {  	[smem:$0x3FAD] =	sst s3  }
0xc: {  	[smem:$0x3FAE] =	sst s4  }
0xd: {  	[smem:$0x3FAF] =	sst s5  }
0xe: {  	[smem:$0x3FB0] =	sst s6  }
0xf: {  	[smem:$0x3FB1] =	sst s7  }
0x10: {  	[smem:$0x3FB2] =	sst s8  }
0x11: {  	[smem:$0x3FB3] =	sst s9;
	s0 =	simm.s32 @!p0 $0x0  }
0x12: {  	s1 =	sld [smem:$0x3F99];
	s0 =	simm.s32 @p0 $0x1  }
0x13: {  	[smem:$0x3FB4] =	sst s0;
	s0 =	simm.s32 @!p1 $0x0  }
0x14: {  	s2 =	sld [smem:$0x3F98];
	s0 =	simm.s32 @p1 $0x1  }
0x15: {  	[smem:$0x3FB5] =	sst s0;
	s0 =	simm.s32 @!p2 $0x0  }
0x16: {  	s3 =	sld [smem:$0x3FDB];
	s0 =	simm.s32 @p2 $0x1  }
0x17: {  	s4 =	simm.s32 $0x1BF5;
	[smem:$0x3FB7] =	sst s0  }
0x18: {  	s0 =	sld [smem:$0x3F9A];
	_ =	swait.ge [sflag:s4], $0x0  }
0x19: {  	s7 =	sld [smem:$0x3F9B]  }
0x1a: {  	s8 =	sadd.s32 $0xFFFFE003, lr  }
0x1b: {  	s9 =	sadd.s32 $0xFFFFFEF7, lr;
	s5 =	simm.s32 $0xFFFFFFFF;
	p2 =	slt.u32 s8, $0xFFFFF086  }
0x1c: {  	p1 =	slt.u32 s9, $0xF7A;
	s5 =	simm.s32 @!p2 $0x0  }
0x1d: {  	s5 =	simm.s32 @p1 $0x1;
	p0 =	seq.s32 s7, s2  }
0x1e: {  	s7 =	smul.u32 @!p0 $0xF7A, s2;
	p2 =	seq.s32 @!p0 s5, $0x0  }
0x1f: {  	s9 =	smul.u32 $0xF7A, s1;
	s8 =	simm.s32 @!p0 $0x1BF5;
	p2 =	por !p2, p0  }
0x20: {  	[sflag:s8] =	ssyncset.s32 @!p0 $0xFFFFF086;
	s6 =	sadd.s32 @!p0 s3, s7;
	s7 =	simm.s32 @!p0 $0x108  }
0x21: {  	s3 =	sadd.s32 s3, s9;
	s6 =	sadd.s32 @!p0 $0x88, s6;
	s7 =	simm.s32 @p2 $0x1082  }
0x22: {  	[simem:s7], [sflag:s8] =	dma.local @!p0 [hbm:s6], $0xF7A  }
0x23: {  	s9 =	sor.u32 $0xD0000000, s2;
	s6 =	simm.s32 $0x108;
	_ =	swait.ge @!p0 [sflag:s8], $0x0  }
0x24: {  	s3 =	sadd.s32 $0x88, s3;
	s6 =	simm.s32 @!p1 $0x1082;
	[sflag:s4] =	ssyncset.s32 $0xFFFFF086  }
0x25: {  	[simem:s6], [sflag:s4] =	dma.local [hbm:s3], $0xF7A  }
0x26: {  	[smem:$0x3F9B] =	sst s1;
	(tag) =	ssettag s2;
	_ =	strace s9  }
0x27: {  	s1 =	sld [smem:$0x3FAB]  }
0x28: {  	s2 =	sld [smem:$0x3FAC]  }
0x29: {  	s4 =	sld [smem:$0x3FAE]  }
0x2a: {  	p0 =	seq.s32 s5, $0x0;
	s5 =	sld [smem:$0x3FAF]  }
0x2b: {  	s6 =	sld [smem:$0x3FB0]  }
0x2c: {  	s7 =	sld [smem:$0x3FB1]  }
0x2d: {  	s3 =	simm.s32 $0x108;
	s8 =	sld [smem:$0x3FB2]  }
0x2e: {  	s3 =	simm.s32 @!p0 $0x1082;
	s9 =	sld [smem:$0x3FB3]  }
0x2f: {  	lr =	sadd.s32 s0, s3;
	s0 =	sld [smem:$0x3FAA]  }
0x30: {  	s3 =	sld [smem:$0x3FAD]  }
0x31: {  	[smem:$0x3FB6] =	sst s10  }
0x32: {  	s10 =	sld [smem:$0x3FB4];
	_ =	sdelay $0x3  }
0x33: {  	p0 =	seq.s32 s10, $0x1;
	s10 =	sld [smem:$0x3FB6];
	_ =	sdelay $0x3  }
0x34: {  	[smem:$0x3FB6] =	sst s10  }
0x35: {  	s10 =	sld [smem:$0x3FB5];
	_ =	sdelay $0x3  }
0x36: {  	p1 =	seq.s32 s10, $0x1;
	s10 =	sld [smem:$0x3FB6];
	_ =	sdelay $0x3  }
0x37: {  	[smem:$0x3FB6] =	sst s10  }
0x38: {  	s10 =	sld [smem:$0x3FB7]  }
0x39: {  	_ = 	snop;
	(pc) =	sbr.ind lr, $3  }
0x3a: {  	_ = 	snop  }
0x3b: {  	_ = 	snop  }
0x3c: {  	p2 =	seq.s32 s10, $0x1;
	s10 =	sld [smem:$0x3FB6]  }
0x3d: {  	_ =	shalt  }
0x3e: {  	_ =	shalt  }
0x3f: {  	_ =	shalt  }
0x40: {  	_ =	shalt  }
0x41: {  	_ =	shalt  }
0x42: {  	_ =	shalt  }
0x43: {  	_ =	shalt  }
0x44: {  	_ =	shalt  }
0x45: {  	_ =	shalt  }
0x46: {  	_ =	shalt  }
0x47: {  	_ =	shalt  }
0x48: {  	_ =	shalt  }
0x49: {  	_ =	shalt  }
0x4a: {  	_ =	shalt  }
0x4b: {  	_ =	shalt  }
0x4c: {  	_ =	shalt  }
0x4d: {  	_ =	shalt  }
0x4e: {  	_ =	shalt  }
0x4f: {  	_ =	shalt  }
0x50: {  	_ =	shalt  }
0x51: {  	_ =	shalt  }
0x52: {  	_ =	shalt  }
0x53: {  	_ =	shalt  }
0x54: {  	_ =	shalt  }
0x55: {  	_ =	shalt  }
0x56: {  	_ =	shalt  }
0x57: {  	_ =	shalt  }
0x58: {  	_ =	shalt  }
0x59: {  	_ =	shalt  }
0x5a: {  	_ =	shalt  }
0x5b: {  	_ =	shalt  }
0x5c: {  	_ =	shalt  }
0x5d: {  	_ =	shalt  }
0x5e: {  	_ =	shalt  }
0x5f: {  	_ =	shalt  }
0x60: {  	_ =	shalt  }
0x61: {  	_ =	shalt  }
0x62: {  	_ =	shalt  }
0x63: {  	_ =	shalt  }
0x64: {  	_ =	shalt  }
0x65: {  	_ =	shalt  }
0x66: {  	_ =	shalt  }
0x67: {  	_ =	shalt  }
0x68: {  	_ =	shalt  }
0x69: {  	_ =	shalt  }
0x6a: {  	_ =	shalt  }
0x6b: {  	_ =	shalt  }
0x6c: {  	_ =	shalt  }
0x6d: {  	_ =	shalt  }
0x6e: {  	_ =	shalt  }
0x6f: {  	_ =	shalt  }
0x70: {  	_ =	shalt  }
0x71: {  	_ =	shalt  }
0x72: {  	_ =	shalt  }
0x73: {  	_ =	shalt  }
0x74: {  	_ =	shalt  }
0x75: {  	_ =	shalt  }
0x76: {  	_ =	shalt  }
0x77: {  	_ =	shalt  }
0x78: {  	_ =	shalt  }
0x79: {  	_ =	shalt  }
0x7a: {  	_ =	shalt  }
0x7b: {  	_ =	shalt  }
0x7c: {  	_ =	shalt  }
0x7d: {  	_ =	shalt  }
0x7e: {  	_ =	shalt  }
0x7f: {  	_ =	shalt  }
0x80: {  	_ =	shalt  }
0x81: {  	_ =	shalt  }
0x82: {  	_ =	shalt  }
0x83: {  	_ =	shalt  }
0x84: {  	_ =	shalt  }
0x85: {  	_ =	shalt  }
0x86: {  	_ =	shalt  }
0x87: {  	_ =	shalt  }
.Lfunc_end0:
.L_simem_size_0:
called_computation.1_lowered:
.L_overlay_start_0:
0x88: {  	s2 =	sld [smem:$0x3FD9]  }
0x89: {  	s3 =	sld [smem:$0x3FFE];
	_ =	sdelay $0x1  }
0x8a: {  	s1 =	srdreg.scid  }
0x8b: {  	s0 =	sand.u32 $0x1, s1  }
0x8c: {  	s17 =	sshll.u32 s0, $0xA;
	s2 =	sadd.s32 s3, s2  }
0x8d: {  	s2 =	sadd.s32 s2, s17  }
0x8e: {  	[smem:$0x3FC2] =	sst s2  }
0x8f: {  	_ = 	snop  }
0x90: {  	s2 =	sld [smem:$0x3FD0];
	(tm) =	ssettm $0x1  }
0x91: {  	s18 =	sld [smem:$0x3FFB];
	_ =	sdelay $0x3  }
0x92: {  	_ =	strace s18  }
0x93: {  	s3 =	sld [smem:$0x3FFC];
	_ =	sdelay $0x3  }
0x94: {  	_ =	strace s3  }
0x95: {  	s3 =	sld [smem:$0x3FFD];
	_ =	sdelay $0x3  }
0x96: {  	_ =	strace s3  }
0x97: {  	_ =	strace $0x8FFFFFFF  }
0x98: {  	s19 =	sld [smem:$0x3FDB];
	_ =	sdelay $0x1  }
0x99: {  	s4 =	simm.s32 $_scs_section_size  }
0x9a: {  	s5 =	simm.s32 $_size__tile_overlayer_lowered;
	s6 =	simm.s32 $_tile_overlayer_lowered  }
0x9b: {  	s22 =	simm.s32 $0x1BFF;
	s21 =	sshll.u32 s6, $0x1;
	s3 =	sadd.s32 s4, s19  }
0x9c: {  	s7 =	simm.s32 $0x0;
	s20 =	sshll.u32 s5, $0x1;
	s5 =	sadd.s32 s21, s3  }
0x9d: {  	[timem:s7], [sflag:s22] =	dma.local [hbm:s5], s20  }
0x9e: {  	_ =	swait.ge [sflag:s22], s20  }
0x9f: {  	s4 =	ssub.s32 $0x0, s20;
	[sflag:s22] =	ssyncset.done $0x0  }
0xa0: {  	[sflag:s22] =	ssyncadd.s32 s4;
	_ =	sdelay $0x1  }
0xa1: {  	s23 =	simm.s32 $0x1B8B  }
0xa2: {  	_ =	swait.ge [sflag:s23], $0x1  }
0xa3: {  	[sflag:s23] =	ssyncset.done $0x0  }
0xa4: {  	s25 =	simm.s32 $0x1B8E;
	s24 =	sld [smem:$0x3FFE];
	[sflag:s23] =	ssyncadd.s32 $0xFFFFFFFF  }
0xa5: {  	s26 =	simm.s32 $execute0_lowered;
	[smem:$0x3FD2] =	sst s25  }
0xa6: {  	s5 =	sshll.u32 s26, $0x1;
	_ =	strace $0x80000049;
	[dreg:$0x1] =	wrdreg $0xFFFFFFFF  }
0xa7: {  	s28 =	simm.s32 $_size_execute0_lowered;
	s3 =	sadd.s32 s3, s5;
	[dreg:$0x0] =	wrdreg $0x0  }
0xa8: {  	s5 =	sshll.u32 s28, $0x1;
	[dreg:$0x2] =	wrdreg s3  }
0xa9: {  	[dreg:$0x3] =	wrdreg s5  }
0xaa: {  	[dreg:$0x4] =	wrdreg $0xC0  }
0xab: {  	_ =	task [dreg:s7], $0x5FFFF  }
0xac: {  	[dreg:$0x1] =	wrdreg $0xFFFFFFFF  }
0xad: {  	[dreg:$0x0] =	wrdreg $0x60  }
0xae: {  	[dreg:$0x2] =	wrdreg s24  }
0xaf: {  	[dreg:$0x3] =	wrdreg s2  }
0xb0: {  	[dreg:$0x4] =	wrdreg $0x90000  }
0xb1: {  	[dreg:$0x5] =	wrdreg $0x9  }
0xb2: {  	_ =	task.clear_ibuf [dreg:s7], $0x6FFFF;
	_ =	strace $0x90000049  }
0xb3: {  	s29 =	simm.s32 $0x9;
	_ =	strace $0x8000004B  }
0xb4: {  	_ =	swait.ge [sflag:s29], $0x1  }
0xb5: {  	[sflag:s29] =	ssyncadd.s32 $0xFFFFFFFF  }
0xb6: {  	_ =	strace $0x9000004B  }
0xb7: {  	_ =	sfence  }
0xb8: {  	s30 =	sld [smem:$0x0];
	_ =	sdelay $0x2  }
0xb9: {  	s31 =	sshll.u32 s1, $0xD;
	s1 =	sshrl.u32 s1, $0x2  }
0xba: {  	s3 =	sand.u32 $0x4000, s31;
	s1 =	sadd.s32 s1, s30  }
0xbb: {  	s0 =	sor.u32 s3, s0;
	s1 =	sshll.u32 s1, $0x11  }
0xbc: {  	s0 =	sor.u32 s1, s0  }
0xbd: {  	s0 =	sadd.s32 $0x8F2B, s0  }
0xbe: {  	[sflag:s0] =	ssyncadd.remote.s32 $0x1  }
0xbf: {  	_ =	sfence.sel $0xFFFF  }
0xc0: {  	[dreg:$0x0] =	wrdreg $0xFFFFFFFF;
	(pc) =	sbr.abs _section_cstart, $3  }
0xc1: {  	[dreg:$0x1] =	wrdreg $0xFFFFFFFF  }
0xc2: {  	_ =	task.clear_ibuf [dreg:s7], $0x2FFFF;
	_ =	strace $0x9FFFFFFF  }
0xc3: {  	(tm) =	ssettm $0x7FFFFFFF  }
tec
execute0_lowered:
.L_overlay_start_1:
0x0: {  	(tag) =	ssettag $0x1  }
0x1: {  	s5 =	rddreg [dreg:$0x0]  }
0x2: {  	s9 =	rddreg [dreg:$0x1]  }
0x3: {  	s2 =	rddreg [dreg:$0x2]  }
0x4: {  	s0 =	rddreg [dreg:$0x3];
	s1 =	stileid.u32  }
0x5: {  	s4 =	srdreg.scid;
	s3 =	simm.s32 $0x0;
	s14 =	simm.s32 $0x2  }
0x6: {  	s15 =	simm.s32 $0x2800;
	s16 =	simm.s32 $0x80;
	s6 =	smul.u32 $0xA00, s1  }
0x7: {  	s17 =	simm.s32 $0x5000;
	s18 =	simm.s32 $0x1;
	s7 =	smul.u32 $0x2800, s1  }
0x8: {  	s19 =	simm.s32 $0x0;
	s8 =	sand.u32 $0x1, s4;
	s26 =	smul.u32 $0xA0, s1  }
0x9: {  	[smem:$0x7FF] =	sst s3;
	s4 =	sadd.s32 $0x16400, s5;
	s13 =	smul.u32 $0x50000, s1  }
0xa: {  	s30 =	sshll.u32 s1, $0x6;
	s10 =	smul.u32 $0x28000, s8;
	_ =	strace $0x8000004A  }
0xb: {  	s11 =	smul.u32 $0xA00, s8;
	s8 =	ssub.s32 $0x2, s8;
	s12 =	sadd.s32 s6, s5  }
0xc: {  	s28 =	sshrl.u32 s8, $0x1;
	s29 =	sshrl.u32 s13, $0x2;
	s6 =	sor.u32 $0x1C02, s30  }
0xd: {  	s10 =	sadd.s32 s7, s10;
	s7 =	sadd.s32 s7, s5;
	s8 =	ssub.s32 s8, s28  }
0xe: {  	s11 =	sadd.s32 s26, s11;
	s13 =	sadd.s32 s29, s2;
	s10 =	sadd.s32 s10, s5  }
0xf: {  	s5 =	sadd.s32 $0x66400, s7;
	s31 =	sshll.u32 s11, $0x4;
	s8 =	smax.u32 s8, $0x1  }
0x10: {  	s13 =	sshrl.u32 s13, $0x3;
	s7 =	sadd.s32 $0x8E400, s10;
	s9 =	sadd.s32 s9, s31  }
0x11: {  	s10 =	sadd.s32 $0x2400, s12;
	s12 =	sadd.s32 $0x2900, s12;
	s11 =	sadd.s32 $0x500, s9  }
.LBB2_1:
0x12: {  	[spmem:s13], [sflag:s6] =	dma.local [hbm:s5], $0x2800  }
0x13: {  	_ =	swait.ge [sflag:s14], $0x2800  }
0x14: {  	[sflag:s14] =	ssyncset.done $0x0  }
0x15: {  	[sflag:s14] =	ssyncadd.s32 $0xFFFFD800  }
0x16: {  	[bflag:$0x0] =	sbarrier.arrive $0xFFFF  }
0x17: {  	[tilespmem:s3], [sflag:$0x2] =	stream.linear.gather [hbm4b:s9+s3], $0x2800, $0x38;
	[tilespmem:$0x1D000] =	vst v63  }
0x18: {  	_ =	swait.ge [sflag:s14], $0x2800  }
0x19: {  	[sflag:s14] =	ssyncset.done $0x0  }
0x1a: {  	[sflag:s14] =	ssyncadd.s32 $0xFFFFD800  }
0x1b: {  	[tilespmem:s15], [sflag:$0x2] =	stream.linear.gather [hbm4b:s10+s3], $0x2800, $0x38;
	[tilespmem:$0x1D000] =	vst v63  }
0x1c: {  	_ =	swait.ge [sflag:s14], $0x2800  }
0x1d: {  	[sflag:s14] =	ssyncset.done $0x0  }
0x1e: {  	s20 =	simm.s32 $0x0;
	[sflag:s14] =	ssyncadd.s32 $0xFFFFD800  }
0x1f: {  	[tilespmem:s17], [sflag:$0x1] =	stream.indirect.gather [hbm4b:s4+s16], $0x80, s20, s16, $0xb8;
	[tilespmem:$0x1D000] =	vst v63  }
0x20: {  	_ =	swait.ge [sflag:s18], $0x4000  }
0x21: {  	[sflag:s18] =	ssyncset.done $0x0  }
0x22: {  	s31 =	simm.s32 $0x2800;
	[sflag:s18] =	ssyncadd.s32 $0xFFFFC000  }
0x23: {  	[spmem:s2] =	stream.indirect.scatter.add.f32 [tilespmem:s17], [sflag:$0x2], $0x80, s31, s16, $0xb8;
	[tilespmem:$0x1D000] =	vst v63  }
0x24: {  	_ =	swait.ge [sflag:s14], $0x4000  }
0x25: {  	s21 =	simm.s32 $0x400;
	s20 =	simm.s32 $0x200;
	[sflag:s14] =	ssyncset.done $0x0  }
.LBB2_2:
0x26: {  	s22 =	sshra.s32 s20, $0x2  }
0x27: {  	[sflag:s14] =	ssyncadd.s32 $0xFFFFC000;
	s20 =	smov.u32 s21;
	s23 =	sadd.s32 $0x200, s21  }
0x28: {  	[tilespmem:s17], [sflag:$0x1] =	stream.indirect.gather [hbm4b:s4+s16], $0x80, s22, s16, $0xb8;
	[tilespmem:$0x1D000] =	vst v63  }
0x29: {  	p0 =	sne.s32 s21, $0x9E00;
	_ =	swait.ge [sflag:s18], $0x4000  }
.Ltmp0:
0x2a: {  	[sflag:s18] =	ssyncset.done $0x0;
	(pc) =	sbr.rel @p0 .LBB2_2-.Ltmp0, $4  }
0x2b: {  	s21 =	sadd.s32 $0x2800, s22;
	[sflag:s18] =	ssyncadd.s32 $0xFFFFC000  }
0x2c: {  	[spmem:s2] =	stream.indirect.scatter.add.f32 [tilespmem:s17], [sflag:$0x2], $0x80, s21, s16, $0xb8;
	[tilespmem:$0x1D000] =	vst v63  }
0x2d: {  	_ =	swait.ge [sflag:s14], $0x4000  }
0x2e: {  	s21 =	smov.u32 s23;
	[sflag:s14] =	ssyncset.done $0x0  }
0x2f: {  	s20 =	sshra.s32 s20, $0x2;
	[sflag:s14] =	ssyncadd.s32 $0xFFFFC000  }
0x30: {  	[tilespmem:s17], [sflag:$0x1] =	stream.indirect.gather [hbm4b:s4+s16], $0x80, s20, s16, $0xb8;
	[tilespmem:$0x1D000] =	vst v63  }
0x31: {  	_ =	swait.ge [sflag:s18], $0x4000  }
0x32: {  	[sflag:s18] =	ssyncset.done $0x0  }
0x33: {  	s20 =	sadd.s32 $0x2800, s20;
	[sflag:s18] =	ssyncadd.s32 $0xFFFFC000  }
0x34: {  	[spmem:s2] =	stream.indirect.scatter.add.f32 [tilespmem:s17], [sflag:$0x2], $0x80, s20, s16, $0xb8;
	[tilespmem:$0x1D000] =	vst v63  }
0x35: {  	_ =	swait.ge [sflag:s14], $0x4000  }
0x36: {  	[sflag:s14] =	ssyncset.done $0x0  }
0x37: {  	s29 =	simm.s32 $0x0;
	[sflag:s14] =	ssyncadd.s32 $0xFFFFC000  }
0x38: {  	[tilespmem:s29], [sflag:$0x2] =	stream.linear.gather [hbm4b:s11+s29], $0x2800, $0x38;
	[tilespmem:$0x1D000] =	vst v63  }
0x39: {  	_ =	swait.ge [sflag:s14], $0x2800  }
0x3a: {  	[sflag:s14] =	ssyncset.done $0x0  }
0x3b: {  	[sflag:s14] =	ssyncadd.s32 $0xFFFFD800  }
0x3c: {  	[tilespmem:s15], [sflag:$0x2] =	stream.linear.gather [hbm4b:s12+s29], $0x2800, $0x38;
	[tilespmem:$0x1D000] =	vst v63  }
0x3d: {  	_ =	swait.ge [sflag:s14], $0x2800  }
0x3e: {  	[sflag:s14] =	ssyncset.done $0x0  }
0x3f: {  	s30 =	simm.s32 $0x0;
	[sflag:s14] =	ssyncadd.s32 $0xFFFFD800  }
0x40: {  	[tilespmem:s17], [sflag:$0x1] =	stream.indirect.gather [hbm4b:s4+s16], $0x80, s30, s16, $0xb8;
	[tilespmem:$0x1D000] =	vst v63  }
0x41: {  	_ =	swait.ge [sflag:s18], $0x4000  }
0x42: {  	[sflag:s18] =	ssyncset.done $0x0  }
0x43: {  	s31 =	simm.s32 $0x2800;
	[sflag:s18] =	ssyncadd.s32 $0xFFFFC000  }
0x44: {  	[spmem:s2] =	stream.indirect.scatter.add.f32 [tilespmem:s17], [sflag:$0x2], $0x80, s31, s16, $0xb8;
	[tilespmem:$0x1D000] =	vst v63  }
0x45: {  	_ =	swait.ge [sflag:s14], $0x4000  }
0x46: {  	s21 =	simm.s32 $0x400;
	s20 =	simm.s32 $0x200;
	[sflag:s14] =	ssyncset.done $0x0  }
.LBB2_4:
0x47: {  	s22 =	sshra.s32 s20, $0x2  }
0x48: {  	[sflag:s14] =	ssyncadd.s32 $0xFFFFC000;
	s20 =	smov.u32 s21;
	s23 =	sadd.s32 $0x200, s21  }
0x49: {  	[tilespmem:s17], [sflag:$0x1] =	stream.indirect.gather [hbm4b:s4+s16], $0x80, s22, s16, $0xb8;
	[tilespmem:$0x1D000] =	vst v63  }
0x4a: {  	p0 =	sne.s32 s21, $0x9E00;
	_ =	swait.ge [sflag:s18], $0x4000  }
.Ltmp1:
0x4b: {  	[sflag:s18] =	ssyncset.done $0x0;
	(pc) =	sbr.rel @p0 .LBB2_4-.Ltmp1, $4  }
0x4c: {  	s21 =	sadd.s32 $0x2800, s22;
	[sflag:s18] =	ssyncadd.s32 $0xFFFFC000  }
0x4d: {  	[spmem:s2] =	stream.indirect.scatter.add.f32 [tilespmem:s17], [sflag:$0x2], $0x80, s21, s16, $0xb8;
	[tilespmem:$0x1D000] =	vst v63  }
0x4e: {  	_ =	swait.ge [sflag:s14], $0x4000  }
0x4f: {  	s21 =	smov.u32 s23;
	[sflag:s14] =	ssyncset.done $0x0  }
0x50: {  	s20 =	sshra.s32 s20, $0x2;
	[sflag:s14] =	ssyncadd.s32 $0xFFFFC000  }
0x51: {  	[tilespmem:s17], [sflag:$0x1] =	stream.indirect.gather [hbm4b:s4+s16], $0x80, s20, s16, $0xb8;
	[tilespmem:$0x1D000] =	vst v63  }
0x52: {  	_ =	swait.ge [sflag:s18], $0x4000  }
0x53: {  	[sflag:s18] =	ssyncset.done $0x0  }
0x54: {  	s20 =	sadd.s32 $0x2800, s20;
	[sflag:s18] =	ssyncadd.s32 $0xFFFFC000  }
0x55: {  	[spmem:s2] =	stream.indirect.scatter.add.f32 [tilespmem:s17], [sflag:$0x2], $0x80, s20, s16, $0xb8;
	[tilespmem:$0x1D000] =	vst v63  }
0x56: {  	_ =	swait.ge [sflag:s14], $0x4000  }
0x57: {  	s19 =	sadd.s32 $0x1, s19;
	[sflag:s14] =	ssyncset.done $0x0  }
0x58: {  	p0 =	sne.s32 s19, s8;
	[sflag:s14] =	ssyncadd.s32 $0xFFFFC000  }
.Ltmp2:
0x59: {  	[bflag:$0x0] =	sbarrier.arrive $0xFFFF;
	(pc) =	sbr.rel @p0 .LBB2_1-.Ltmp2, $4  }
0x5a: {  	[hbm:s7], [sflag:s6] =	dma.local [spmem:s13], $0x2800  }
0x5b: {  	_ =	swait.ge [sflag:s14], $0x2800  }
0x5c: {  	[sflag:s14] =	ssyncset.done $0x0  }
0x5d: {  	[sflag:s14] =	ssyncadd.s32 $0xFFFFD800  }
0x5e: {  	_ =	sfence.sel $0x180000  }
0x5f: {  	[bflag:$0x0] =	sbarrier.arrive $0xFFFF  }
0x60: {  	p0 =	sne.s32 s1, $0x0;
	_ =	strace $0x9000004A  }
0x61: {  	s0 =	sadd.s32 @!p0 $0x100000, s0;
	[bflag:$0x2] =	sbarrier.arrive $0xFFFF  }
0x62: {  	[sflag:s0] =	ssyncadd.tile.s32 @!p0 $0x1;
	_ =	shalt  }
.Lfunc_end2:
_tile_overlayer_lowered:
.L_overlay_start_2:
0x63: {  	(tag) =	ssettag $0x2  }
0x64: {  	s0 =	rddreg [dreg:$0x0];
	s2 =	stileid.u32  }
0x65: {  	s1 =	rddreg [dreg:$0x1];
	p0 =	sne.s32 s2, $0x0  }
0x66: {  	s3 =	rddreg [dreg:$0x2];
	[bflag:$0x3] =	sbarrier.arrive $0xFFFF;
	s2 =	simm.s32 @!p0 $0x1C02  }
0x67: {  	[timem:s3], [sflag:s2] =	dma.local @!p0 [hbm:s0], s1  }
0x68: {  	s0 =	simm.s32 @!p0 $0x2  }
0x69: {  	_ =	swait.ge @!p0 [sflag:s0], s1  }
0x6a: {  	s1 =	ssub.s32 @!p0 $0x0, s1;
	[sflag:s0] =	ssyncset.done @!p0 $0x0  }
0x6b: {  	[sflag:s0] =	ssyncadd.s32 @!p0 s1  }
0x6c: {  	[bflag:$0x3] =	sbarrier.arrive $0xFFFF  }
0x6d: {  	_ =	shalt  }

// kernel: kernel.14.cloned.1.call-start
scs
__scs_entry_jumppad:
0x0: {  	(pc) =	sbr.rel $0x88, $3  }
0x1: {  	(tag) =	ssettag $0x0;
	lr =	simm.s32 $0x1  }
0x2: {  	[smem:$0x3F9B] =	sst lr;
	_ =	strace $0xD0000000  }
0x3: {  	_ = 	snop  }
0x4: {  	_ = 	snop  }
0x5: {  	_ = 	snop  }
0x6: {  	_ = 	snop  }
0x7: {  	_ = 	snop  }
__scs_overlays_trampoline_lowered:
0x8: {  	[smem:$0x3FAA] =	sst s0  }
0x9: {  	[smem:$0x3FAB] =	sst s1  }
0xa: {  	[smem:$0x3FAC] =	sst s2  }
0xb: {  	[smem:$0x3FAD] =	sst s3  }
0xc: {  	[smem:$0x3FAE] =	sst s4  }
0xd: {  	[smem:$0x3FAF] =	sst s5  }
0xe: {  	[smem:$0x3FB0] =	sst s6  }
0xf: {  	[smem:$0x3FB1] =	sst s7  }
0x10: {  	[smem:$0x3FB2] =	sst s8  }
0x11: {  	[smem:$0x3FB3] =	sst s9;
	s0 =	simm.s32 @!p0 $0x0  }
0x12: {  	s1 =	sld [smem:$0x3F99];
	s0 =	simm.s32 @p0 $0x1  }
0x13: {  	[smem:$0x3FB4] =	sst s0;
	s0 =	simm.s32 @!p1 $0x0  }
0x14: {  	s2 =	sld [smem:$0x3F98];
	s0 =	simm.s32 @p1 $0x1  }
0x15: {  	[smem:$0x3FB5] =	sst s0;
	s0 =	simm.s32 @!p2 $0x0  }
0x16: {  	s3 =	sld [smem:$0x3FDB];
	s0 =	simm.s32 @p2 $0x1  }
0x17: {  	s4 =	simm.s32 $0x1BF5;
	[smem:$0x3FB7] =	sst s0  }
0x18: {  	s0 =	sld [smem:$0x3F9A];
	_ =	swait.ge [sflag:s4], $0x0  }
0x19: {  	s7 =	sld [smem:$0x3F9B]  }
0x1a: {  	s8 =	sadd.s32 $0xFFFFE003, lr  }
0x1b: {  	s9 =	sadd.s32 $0xFFFFFEF7, lr;
	s5 =	simm.s32 $0xFFFFFFFF;
	p2 =	slt.u32 s8, $0xFFFFF086  }
0x1c: {  	p1 =	slt.u32 s9, $0xF7A;
	s5 =	simm.s32 @!p2 $0x0  }
0x1d: {  	s5 =	simm.s32 @p1 $0x1;
	p0 =	seq.s32 s7, s2  }
0x1e: {  	s7 =	smul.u32 @!p0 $0xF7A, s2;
	p2 =	seq.s32 @!p0 s5, $0x0  }
0x1f: {  	s9 =	smul.u32 $0xF7A, s1;
	s8 =	simm.s32 @!p0 $0x1BF5;
	p2 =	por !p2, p0  }
0x20: {  	[sflag:s8] =	ssyncset.s32 @!p0 $0xFFFFF086;
	s6 =	sadd.s32 @!p0 s3, s7;
	s7 =	simm.s32 @!p0 $0x108  }
0x21: {  	s3 =	sadd.s32 s3, s9;
	s6 =	sadd.s32 @!p0 $0x88, s6;
	s7 =	simm.s32 @p2 $0x1082  }
0x22: {  	[simem:s7], [sflag:s8] =	dma.local @!p0 [hbm:s6], $0xF7A  }
0x23: {  	s9 =	sor.u32 $0xD0000000, s2;
	s6 =	simm.s32 $0x108;
	_ =	swait.ge @!p0 [sflag:s8], $0x0  }
0x24: {  	s3 =	sadd.s32 $0x88, s3;
	s6 =	simm.s32 @!p1 $0x1082;
	[sflag:s4] =	ssyncset.s32 $0xFFFFF086  }
0x25: {  	[simem:s6], [sflag:s4] =	dma.local [hbm:s3], $0xF7A  }
0x26: {  	[smem:$0x3F9B] =	sst s1;
	(tag) =	ssettag s2;
	_ =	strace s9  }
0x27: {  	s1 =	sld [smem:$0x3FAB]  }
0x28: {  	s2 =	sld [smem:$0x3FAC]  }
0x29: {  	s4 =	sld [smem:$0x3FAE]  }
0x2a: {  	p0 =	seq.s32 s5, $0x0;
	s5 =	sld [smem:$0x3FAF]  }
0x2b: {  	s6 =	sld [smem:$0x3FB0]  }
0x2c: {  	s7 =	sld [smem:$0x3FB1]  }
0x2d: {  	s3 =	simm.s32 $0x108;
	s8 =	sld [smem:$0x3FB2]  }
0x2e: {  	s3 =	simm.s32 @!p0 $0x1082;
	s9 =	sld [smem:$0x3FB3]  }
0x2f: {  	lr =	sadd.s32 s0, s3;
	s0 =	sld [smem:$0x3FAA]  }
0x30: {  	s3 =	sld [smem:$0x3FAD]  }
0x31: {  	[smem:$0x3FB6] =	sst s10  }
0x32: {  	s10 =	sld [smem:$0x3FB4];
	_ =	sdelay $0x3  }
0x33: {  	p0 =	seq.s32 s10, $0x1;
	s10 =	sld [smem:$0x3FB6];
	_ =	sdelay $0x3  }
0x34: {  	[smem:$0x3FB6] =	sst s10  }
0x35: {  	s10 =	sld [smem:$0x3FB5];
	_ =	sdelay $0x3  }
0x36: {  	p1 =	seq.s32 s10, $0x1;
	s10 =	sld [smem:$0x3FB6];
	_ =	sdelay $0x3  }
0x37: {  	[smem:$0x3FB6] =	sst s10  }
0x38: {  	s10 =	sld [smem:$0x3FB7]  }
0x39: {  	_ = 	snop;
	(pc) =	sbr.ind lr, $3  }
0x3a: {  	_ = 	snop  }
0x3b: {  	_ = 	snop  }
0x3c: {  	p2 =	seq.s32 s10, $0x1;
	s10 =	sld [smem:$0x3FB6]  }
0x3d: {  	_ =	shalt  }
0x3e: {  	_ =	shalt  }
0x3f: {  	_ =	shalt  }
0x40: {  	_ =	shalt  }
0x41: {  	_ =	shalt  }
0x42: {  	_ =	shalt  }
0x43: {  	_ =	shalt  }
0x44: {  	_ =	shalt  }
0x45: {  	_ =	shalt  }
0x46: {  	_ =	shalt  }
0x47: {  	_ =	shalt  }
0x48: {  	_ =	shalt  }
0x49: {  	_ =	shalt  }
0x4a: {  	_ =	shalt  }
0x4b: {  	_ =	shalt  }
0x4c: {  	_ =	shalt  }
0x4d: {  	_ =	shalt  }
0x4e: {  	_ =	shalt  }
0x4f: {  	_ =	shalt  }
0x50: {  	_ =	shalt  }
0x51: {  	_ =	shalt  }
0x52: {  	_ =	shalt  }
0x53: {  	_ =	shalt  }
0x54: {  	_ =	shalt  }
0x55: {  	_ =	shalt  }
0x56: {  	_ =	shalt  }
0x57: {  	_ =	shalt  }
0x58: {  	_ =	shalt  }
0x59: {  	_ =	shalt  }
0x5a: {  	_ =	shalt  }
0x5b: {  	_ =	shalt  }
0x5c: {  	_ =	shalt  }
0x5d: {  	_ =	shalt  }
0x5e: {  	_ =	shalt  }
0x5f: {  	_ =	shalt  }
0x60: {  	_ =	shalt  }
0x61: {  	_ =	shalt  }
0x62: {  	_ =	shalt  }
0x63: {  	_ =	shalt  }
0x64: {  	_ =	shalt  }
0x65: {  	_ =	shalt  }
0x66: {  	_ =	shalt  }
0x67: {  	_ =	shalt  }
0x68: {  	_ =	shalt  }
0x69: {  	_ =	shalt  }
0x6a: {  	_ =	shalt  }
0x6b: {  	_ =	shalt  }
0x6c: {  	_ =	shalt  }
0x6d: {  	_ =	shalt  }
0x6e: {  	_ =	shalt  }
0x6f: {  	_ =	shalt  }
0x70: {  	_ =	shalt  }
0x71: {  	_ =	shalt  }
0x72: {  	_ =	shalt  }
0x73: {  	_ =	shalt  }
0x74: {  	_ =	shalt  }
0x75: {  	_ =	shalt  }
0x76: {  	_ =	shalt  }
0x77: {  	_ =	shalt  }
0x78: {  	_ =	shalt  }
0x79: {  	_ =	shalt  }
0x7a: {  	_ =	shalt  }
0x7b: {  	_ =	shalt  }
0x7c: {  	_ =	shalt  }
0x7d: {  	_ =	shalt  }
0x7e: {  	_ =	shalt  }
0x7f: {  	_ =	shalt  }
0x80: {  	_ =	shalt  }
0x81: {  	_ =	shalt  }
0x82: {  	_ =	shalt  }
0x83: {  	_ =	shalt  }
0x84: {  	_ =	shalt  }
0x85: {  	_ =	shalt  }
0x86: {  	_ =	shalt  }
0x87: {  	_ =	shalt  }
.Lfunc_end0:
.L_simem_size_0:
called_computation.2_lowered:
.L_overlay_start_0:
0x88: {  	s2 =	sld [smem:$0x3FD9]  }
0x89: {  	s3 =	sld [smem:$0x3FFE];
	_ =	sdelay $0x1  }
0x8a: {  	s1 =	srdreg.scid  }
0x8b: {  	s0 =	sand.u32 $0x1, s1  }
0x8c: {  	s16 =	sshll.u32 s0, $0xA;
	s2 =	sadd.s32 s3, s2  }
0x8d: {  	s2 =	sadd.s32 s2, s16  }
0x8e: {  	[smem:$0x3FC2] =	sst s2  }
0x8f: {  	_ = 	snop  }
0x90: {  	(tm) =	ssettm $0x1  }
0x91: {  	s17 =	sld [smem:$0x3FFB];
	_ =	sdelay $0x3  }
0x92: {  	_ =	strace s17  }
0x93: {  	s2 =	sld [smem:$0x3FFC];
	_ =	sdelay $0x3  }
0x94: {  	_ =	strace s2  }
0x95: {  	s2 =	sld [smem:$0x3FFD];
	_ =	sdelay $0x3  }
0x96: {  	_ =	strace s2  }
0x97: {  	_ =	strace $0x8FFFFFFF  }
0x98: {  	s18 =	sld [smem:$0x3FDB];
	_ =	sdelay $0x1  }
0x99: {  	s19 =	simm.s32 $_scs_section_size  }
0x9a: {  	s4 =	simm.s32 $_size__tile_overlayer_lowered;
	s5 =	simm.s32 $_tile_overlayer_lowered  }
0x9b: {  	s22 =	simm.s32 $0x1BFF;
	s21 =	sshll.u32 s5, $0x1;
	s2 =	sadd.s32 s19, s18  }
0x9c: {  	s6 =	simm.s32 $0x0;
	s20 =	sshll.u32 s4, $0x1;
	s4 =	sadd.s32 s21, s2  }
0x9d: {  	[timem:s6], [sflag:s22] =	dma.local [hbm:s4], s20  }
0x9e: {  	_ =	swait.ge [sflag:s22], s20  }
0x9f: {  	s3 =	ssub.s32 $0x0, s20;
	[sflag:s22] =	ssyncset.done $0x0  }
0xa0: {  	[sflag:s22] =	ssyncadd.s32 s3;
	_ =	sdelay $0x1  }
0xa1: {  	s23 =	simm.s32 $0x1B8B  }
0xa2: {  	_ =	swait.ge [sflag:s23], $0x1  }
0xa3: {  	[sflag:s23] =	ssyncset.done $0x0  }
0xa4: {  	s25 =	simm.s32 $0x1B8E;
	s24 =	sld [smem:$0x3FFE];
	[sflag:s23] =	ssyncadd.s32 $0xFFFFFFFF  }
0xa5: {  	s26 =	simm.s32 $execute0_lowered;
	[smem:$0x3FD2] =	sst s25  }
0xa6: {  	s4 =	sshll.u32 s26, $0x1;
	_ =	strace $0x8000004C;
	[dreg:$0x1] =	wrdreg $0xFFFFFFFF  }
0xa7: {  	s28 =	simm.s32 $_size_execute0_lowered;
	s2 =	sadd.s32 s2, s4;
	[dreg:$0x0] =	wrdreg $0x0  }
0xa8: {  	s4 =	sshll.u32 s28, $0x1;
	[dreg:$0x2] =	wrdreg s2  }
0xa9: {  	[dreg:$0x3] =	wrdreg s4  }
0xaa: {  	[dreg:$0x4] =	wrdreg $0xC0  }
0xab: {  	_ =	task [dreg:s6], $0x5FFFF  }
0xac: {  	[dreg:$0x1] =	wrdreg $0xFFFFFFFF  }
0xad: {  	[dreg:$0x0] =	wrdreg $0x60  }
0xae: {  	[dreg:$0x2] =	wrdreg s24  }
0xaf: {  	[dreg:$0x3] =	wrdreg $0x90000  }
0xb0: {  	[dreg:$0x4] =	wrdreg $0x9  }
0xb1: {  	_ =	task.clear_ibuf [dreg:s6], $0x5FFFF;
	_ =	strace $0x9000004C  }
0xb2: {  	s29 =	simm.s32 $0x9;
	_ =	strace $0x8000004E  }
0xb3: {  	_ =	swait.ge [sflag:s29], $0x1  }
0xb4: {  	[sflag:s29] =	ssyncadd.s32 $0xFFFFFFFF  }
0xb5: {  	_ =	strace $0x9000004E  }
0xb6: {  	_ =	sfence  }
0xb7: {  	s30 =	sld [smem:$0x0];
	_ =	sdelay $0x2  }
0xb8: {  	s31 =	sshll.u32 s1, $0xD;
	s1 =	sshrl.u32 s1, $0x2  }
0xb9: {  	s3 =	sand.u32 $0x4000, s31;
	s1 =	sadd.s32 s1, s30  }
0xba: {  	s0 =	sor.u32 s3, s0;
	s1 =	sshll.u32 s1, $0x11  }
0xbb: {  	s0 =	sor.u32 s1, s0  }
0xbc: {  	s0 =	sadd.s32 $0x8F2B, s0  }
0xbd: {  	[sflag:s0] =	ssyncadd.remote.s32 $0x1  }
0xbe: {  	_ =	sfence.sel $0xFFFF  }
0xbf: {  	[dreg:$0x0] =	wrdreg $0xFFFFFFFF;
	(pc) =	sbr.abs _section_cstart, $3  }
0xc0: {  	[dreg:$0x1] =	wrdreg $0xFFFFFFFF  }
0xc1: {  	_ =	task.clear_ibuf [dreg:s6], $0x2FFFF;
	_ =	strace $0x9FFFFFFF  }
0xc2: {  	(tm) =	ssettm $0x7FFFFFFF  }
0xc3: {  	_ =	shalt  }
tec
execute0_lowered:
.L_overlay_start_1:
0x0: {  	(tag) =	ssettag $0x1  }
0x1: {  	s6 =	rddreg [dreg:$0x0]  }
0x2: {  	s0 =	srdreg.scid;
	s2 =	rddreg [dreg:$0x1]  }
0x3: {  	s3 =	simm.s32 $0x0;
	s5 =	sand.u32 $0x1, s0;
	s0 =	stileid.u32  }
0x4: {  	s15 =	simm.s32 $0x5000;
	s16 =	simm.s32 $0x1;
	s8 =	smul.u32 $0x2800, s0  }
0x5: {  	s17 =	simm.s32 $0x0;
	[smem:$0x7FF] =	sst s3;
	s9 =	smul.u32 $0x28000, s5  }
0x6: {  	s1 =	sshll.u32 s5, $0x4;
	s5 =	ssub.s32 $0x2, s5;
	s28 =	smul.u32 $0x50000, s0  }
0x7: {  	s31 =	sshll.u32 s0, $0x6;
	s4 =	sor.u32 s0, s1;
	s1 =	rddreg [dreg:$0x2]  }
0x8: {  	_ =	strace $0x8000004D;
	s29 =	sshrl.u32 s5, $0x1;
	s7 =	smul.u32 $0x500, s4  }
0x9: {  	s4 =	sadd.s32 $0x16400, s6;
	s11 =	sadd.s32 s8, s6;
	s8 =	sadd.s32 s8, s9  }
0xa: {  	s13 =	ssub.s32 s5, s29;
	s30 =	sshrl.u32 s28, $0x2;
	s12 =	sadd.s32 s8, s6  }
0xb: {  	s14 =	sadd.s32 s30, s2;
	s5 =	sadd.s32 $0x66400, s11;
	s10 =	sadd.s32 s7, s6  }
0xc: {  	s6 =	sor.u32 $0x1C02, s31;
	s9 =	sadd.s32 $0x8E400, s12;
	s11 =	sshrl.u32 s14, $0x3  }
0xd: {  	s12 =	simm.s32 $0x2;
	s14 =	simm.s32 $0x80;
	s7 =	sadd.s32 $0xC400, s10  }
0xe: {  	s8 =	sadd.s32 $0x2400, s10;
	s10 =	smax.u32 s13, $0x1;
	s13 =	simm.s32 $0x2800  }
.LBB2_1:
0xf: {  	[spmem:s11], [sflag:s6] =	dma.local [hbm:s5], $0x2800  }
0x10: {  	_ =	swait.ge [sflag:s12], $0x2800  }
0x11: {  	[sflag:s12] =	ssyncset.done $0x0  }
0x12: {  	[sflag:s12] =	ssyncadd.s32 $0xFFFFD800  }
0x13: {  	[bflag:$0x0] =	sbarrier.arrive $0xFFFF  }
0x14: {  	[tilespmem:s3], [sflag:$0x2] =	stream.linear.gather [hbm4b:s7+s3], $0x2800, $0x38;
	[tilespmem:$0x1D000] =	vst v63  }
0x15: {  	_ =	swait.ge [sflag:s12], $0x2800  }
0x16: {  	[sflag:s12] =	ssyncset.done $0x0  }
0x17: {  	[sflag:s12] =	ssyncadd.s32 $0xFFFFD800  }
0x18: {  	[tilespmem:s13], [sflag:$0x2] =	stream.linear.gather [hbm4b:s8+s3], $0x2800, $0x38;
	[tilespmem:$0x1D000] =	vst v63  }
0x19: {  	_ =	swait.ge [sflag:s12], $0x2800  }
0x1a: {  	[sflag:s12] =	ssyncset.done $0x0  }
0x1b: {  	s18 =	simm.s32 $0x0;
	[sflag:s12] =	ssyncadd.s32 $0xFFFFD800  }
0x1c: {  	[tilespmem:s15], [sflag:$0x1] =	stream.indirect.gather [hbm4b:s4+s14], $0x80, s18, s14, $0xb8;
	[tilespmem:$0x1D000] =	vst v63  }
0x1d: {  	_ =	swait.ge [sflag:s16], $0x4000  }
0x1e: {  	[sflag:s16] =	ssyncset.done $0x0  }
0x1f: {  	s31 =	simm.s32 $0x2800;
	[sflag:s16] =	ssyncadd.s32 $0xFFFFC000  }
0x20: {  	[spmem:s2] =	stream.indirect.scatter.add.f32 [tilespmem:s15], [sflag:$0x2], $0x80, s31, s14, $0xb8;
	[tilespmem:$0x1D000] =	vst v63  }
0x21: {  	_ =	swait.ge [sflag:s12], $0x4000  }
0x22: {  	s19 =	simm.s32 $0x400;
	s18 =	simm.s32 $0x200;
	[sflag:s12] =	ssyncset.done $0x0  }
.LBB2_2:
0x23: {  	s20 =	sshra.s32 s18, $0x2  }
0x24: {  	[sflag:s12] =	ssyncadd.s32 $0xFFFFC000;
	s18 =	smov.u32 s19;
	s21 =	sadd.s32 $0x200, s19  }
0x25: {  	[tilespmem:s15], [sflag:$0x1] =	stream.indirect.gather [hbm4b:s4+s14], $0x80, s20, s14, $0xb8;
	[tilespmem:$0x1D000] =	vst v63  }
0x26: {  	p0 =	sne.s32 s19, $0x9E00;
	_ =	swait.ge [sflag:s16], $0x4000  }
.Ltmp0:
0x27: {  	[sflag:s16] =	ssyncset.done $0x0;
	(pc) =	sbr.rel @p0 .LBB2_2-.Ltmp0, $4  }
0x28: {  	s19 =	sadd.s32 $0x2800, s20;
	[sflag:s16] =	ssyncadd.s32 $0xFFFFC000  }
0x29: {  	[spmem:s2] =	stream.indirect.scatter.add.f32 [tilespmem:s15], [sflag:$0x2], $0x80, s19, s14, $0xb8;
	[tilespmem:$0x1D000] =	vst v63  }
0x2a: {  	_ =	swait.ge [sflag:s12], $0x4000  }
0x2b: {  	s19 =	smov.u32 s21;
	[sflag:s12] =	ssyncset.done $0x0  }
0x2c: {  	s18 =	sshra.s32 s18, $0x2;
	[sflag:s12] =	ssyncadd.s32 $0xFFFFC000  }
0x2d: {  	[tilespmem:s15], [sflag:$0x1] =	stream.indirect.gather [hbm4b:s4+s14], $0x80, s18, s14, $0xb8;
	[tilespmem:$0x1D000] =	vst v63  }
0x2e: {  	_ =	swait.ge [sflag:s16], $0x4000  }
0x2f: {  	[sflag:s16] =	ssyncset.done $0x0  }
0x30: {  	s18 =	sadd.s32 $0x2800, s18;
	[sflag:s16] =	ssyncadd.s32 $0xFFFFC000  }
0x31: {  	[spmem:s2] =	stream.indirect.scatter.add.f32 [tilespmem:s15], [sflag:$0x2], $0x80, s18, s14, $0xb8;
	[tilespmem:$0x1D000] =	vst v63  }
0x32: {  	_ =	swait.ge [sflag:s12], $0x4000  }
0x33: {  	s17 =	sadd.s32 $0x1, s17;
	[sflag:s12] =	ssyncset.done $0x0  }
0x34: {  	p0 =	sne.s32 s17, s10;
	[sflag:s12] =	ssyncadd.s32 $0xFFFFC000  }
.Ltmp1:
0x35: {  	[bflag:$0x0] =	sbarrier.arrive $0xFFFF;
	(pc) =	sbr.rel @p0 .LBB2_1-.Ltmp1, $4  }
0x36: {  	[hbm:s9], [sflag:s6] =	dma.local [spmem:s11], $0x2800  }
0x37: {  	_ =	swait.ge [sflag:s12], $0x2800  }
0x38: {  	[sflag:s12] =	ssyncset.done $0x0  }
0x39: {  	[sflag:s12] =	ssyncadd.s32 $0xFFFFD800  }
0x3a: {  	_ =	sfence.sel $0x180000  }
0x3b: {  	[bflag:$0x0] =	sbarrier.arrive $0xFFFF  }
0x3c: {  	p0 =	sne.s32 s0, $0x0;
	_ =	strace $0x9000004D  }
0x3d: {  	s0 =	sadd.s32 @!p0 $0x100000, s1;
	[bflag:$0x2] =	sbarrier.arrive $0xFFFF  }
0x3e: {  	[sflag:s0] =	ssyncadd.tile.s32 @!p0 $0x1;
	_ =	shalt  }
.Lfunc_end2:
_tile_overlayer_lowered:
.L_overlay_start_2:
0x3f: {  	(tag) =	ssettag $0x2  }
0x40: {  	s0 =	rddreg [dreg:$0x0];
	s2 =	stileid.u32  }
0x41: {  	s1 =	rddreg [dreg:$0x1];
	p0 =	sne.s32 s2, $0x0  }
0x42: {  	s3 =	rddreg [dreg:$0x2];
	[bflag:$0x3] =	sbarrier.arrive $0xFFFF;
	s2 =	simm.s32 @!p0 $0x1C02  }
0x43: {  	[timem:s3], [sflag:s2] =	dma.local @!p0 [hbm:s0], s1  }
0x44: {  	s0 =	simm.s32 @!p0 $0x2  }
0x45: {  	_ =	swait.ge @!p0 [sflag:s0], s1  }
0x46: {  	s1 =	ssub.s32 @!p0 $0x0, s1;
	[sflag:s0] =	ssyncset.done @!p0 $0x0  }
0x47: {  	[sflag:s0] =	ssyncadd.s32 @!p0 s1  }
0x48: {  	[bflag:$0x3] =	sbarrier.arrive $0xFFFF  }
0x49: {  	_ =	shalt  }

// kernel: kernel.8.cloned.1.call-start
scs
__scs_entry_jumppad:
0x0: {  	(pc) =	sbr.rel $0x88, $3  }
0x1: {  	(tag) =	ssettag $0x0;
	lr =	simm.s32 $0x1  }
0x2: {  	[smem:$0x3F9B] =	sst lr;
	_ =	strace $0xD0000000  }
0x3: {  	_ = 	snop  }
0x4: {  	_ = 	snop  }
0x5: {  	_ = 	snop  }
0x6: {  	_ = 	snop  }
0x7: {  	_ = 	snop  }
__scs_overlays_trampoline_lowered:
0x8: {  	[smem:$0x3FAA] =	sst s0  }
0x9: {  	[smem:$0x3FAB] =	sst s1  }
0xa: {  	[smem:$0x3FAC] =	sst s2  }
0xb: {  	[smem:$0x3FAD] =	sst s3  }
0xc: {  	[smem:$0x3FAE] =	sst s4  }
0xd: {  	[smem:$0x3FAF] =	sst s5  }
0xe: {  	[smem:$0x3FB0] =	sst s6  }
0xf: {  	[smem:$0x3FB1] =	sst s7  }
0x10: {  	[smem:$0x3FB2] =	sst s8  }
0x11: {  	[smem:$0x3FB3] =	sst s9;
	s0 =	simm.s32 @!p0 $0x0  }
0x12: {  	s1 =	sld [smem:$0x3F99];
	s0 =	simm.s32 @p0 $0x1  }
0x13: {  	[smem:$0x3FB4] =	sst s0;
	s0 =	simm.s32 @!p1 $0x0  }
0x14: {  	s2 =	sld [smem:$0x3F98];
	s0 =	simm.s32 @p1 $0x1  }
0x15: {  	[smem:$0x3FB5] =	sst s0;
	s0 =	simm.s32 @!p2 $0x0  }
0x16: {  	s3 =	sld [smem:$0x3FDB];
	s0 =	simm.s32 @p2 $0x1  }
0x17: {  	s4 =	simm.s32 $0x1BF5;
	[smem:$0x3FB7] =	sst s0  }
0x18: {  	s0 =	sld [smem:$0x3F9A];
	_ =	swait.ge [sflag:s4], $0x0  }
0x19: {  	s7 =	sld [smem:$0x3F9B]  }
0x1a: {  	s8 =	sadd.s32 $0xFFFFE003, lr  }
0x1b: {  	s9 =	sadd.s32 $0xFFFFFEF7, lr;
	s5 =	simm.s32 $0xFFFFFFFF;
	p2 =	slt.u32 s8, $0xFFFFF086  }
0x1c: {  	p1 =	slt.u32 s9, $0xF7A;
	s5 =	simm.s32 @!p2 $0x0  }
0x1d: {  	s5 =	simm.s32 @p1 $0x1;
	p0 =	seq.s32 s7, s2  }
0x1e: {  	s7 =	smul.u32 @!p0 $0xF7A, s2;
	p2 =	seq.s32 @!p0 s5, $0x0  }
0x1f: {  	s9 =	smul.u32 $0xF7A, s1;
	s8 =	simm.s32 @!p0 $0x1BF5;
	p2 =	por !p2, p0  }
0x20: {  	[sflag:s8] =	ssyncset.s32 @!p0 $0xFFFFF086;
	s6 =	sadd.s32 @!p0 s3, s7;
	s7 =	simm.s32 @!p0 $0x108  }
0x21: {  	s3 =	sadd.s32 s3, s9;
	s6 =	sadd.s32 @!p0 $0x88, s6;
	s7 =	simm.s32 @p2 $0x1082  }
0x22: {  	[simem:s7], [sflag:s8] =	dma.local @!p0 [hbm:s6], $0xF7A  }
0x23: {  	s9 =	sor.u32 $0xD0000000, s2;
	s6 =	simm.s32 $0x108;
	_ =	swait.ge @!p0 [sflag:s8], $0x0  }
0x24: {  	s3 =	sadd.s32 $0x88, s3;
	s6 =	simm.s32 @!p1 $0x1082;
	[sflag:s4] =	ssyncset.s32 $0xFFFFF086  }
0x25: {  	[simem:s6], [sflag:s4] =	dma.local [hbm:s3], $0xF7A  }
0x26: {  	[smem:$0x3F9B] =	sst s1;
	(tag) =	ssettag s2;
	_ =	strace s9  }
0x27: {  	s1 =	sld [smem:$0x3FAB]  }
0x28: {  	s2 =	sld [smem:$0x3FAC]  }
0x29: {  	s4 =	sld [smem:$0x3FAE]  }
0x2a: {  	p0 =	seq.s32 s5, $0x0;
	s5 =	sld [smem:$0x3FAF]  }
0x2b: {  	s6 =	sld [smem:$0x3FB0]  }
0x2c: {  	s7 =	sld [smem:$0x3FB1]  }
0x2d: {  	s3 =	simm.s32 $0x108;
	s8 =	sld [smem:$0x3FB2]  }
0x2e: {  	s3 =	simm.s32 @!p0 $0x1082;
	s9 =	sld [smem:$0x3FB3]  }
0x2f: {  	lr =	sadd.s32 s0, s3;
	s0 =	sld [smem:$0x3FAA]  }
0x30: {  	s3 =	sld [smem:$0x3FAD]  }
0x31: {  	[smem:$0x3FB6] =	sst s10  }
0x32: {  	s10 =	sld [smem:$0x3FB4];
	_ =	sdelay $0x3  }
0x33: {  	p0 =	seq.s32 s10, $0x1;
	s10 =	sld [smem:$0x3FB6];
	_ =	sdelay $0x3  }
0x34: {  	[smem:$0x3FB6] =	sst s10  }
0x35: {  	s10 =	sld [smem:$0x3FB5];
	_ =	sdelay $0x3  }
0x36: {  	p1 =	seq.s32 s10, $0x1;
	s10 =	sld [smem:$0x3FB6];
	_ =	sdelay $0x3  }
0x37: {  	[smem:$0x3FB6] =	sst s10  }
0x38: {  	s10 =	sld [smem:$0x3FB7]  }
0x39: {  	_ = 	snop;
	(pc) =	sbr.ind lr, $3  }
0x3a: {  	_ = 	snop  }
0x3b: {  	_ = 	snop  }
0x3c: {  	p2 =	seq.s32 s10, $0x1;
	s10 =	sld [smem:$0x3FB6]  }
0x3d: {  	_ =	shalt  }
0x3e: {  	_ =	shalt  }
0x3f: {  	_ =	shalt  }
0x40: {  	_ =	shalt  }
0x41: {  	_ =	shalt  }
0x42: {  	_ =	shalt  }
0x43: {  	_ =	shalt  }
0x44: {  	_ =	shalt  }
0x45: {  	_ =	shalt  }
0x46: {  	_ =	shalt  }
0x47: {  	_ =	shalt  }
0x48: {  	_ =	shalt  }
0x49: {  	_ =	shalt  }
0x4a: {  	_ =	shalt  }
0x4b: {  	_ =	shalt  }
0x4c: {  	_ =	shalt  }
0x4d: {  	_ =	shalt  }
0x4e: {  	_ =	shalt  }
0x4f: {  	_ =	shalt  }
0x50: {  	_ =	shalt  }
0x51: {  	_ =	shalt  }
0x52: {  	_ =	shalt  }
0x53: {  	_ =	shalt  }
0x54: {  	_ =	shalt  }
0x55: {  	_ =	shalt  }
0x56: {  	_ =	shalt  }
0x57: {  	_ =	shalt  }
0x58: {  	_ =	shalt  }
0x59: {  	_ =	shalt  }
0x5a: {  	_ =	shalt  }
0x5b: {  	_ =	shalt  }
0x5c: {  	_ =	shalt  }
0x5d: {  	_ =	shalt  }
0x5e: {  	_ =	shalt  }
0x5f: {  	_ =	shalt  }
0x60: {  	_ =	shalt  }
0x61: {  	_ =	shalt  }
0x62: {  	_ =	shalt  }
0x63: {  	_ =	shalt  }
0x64: {  	_ =	shalt  }
0x65: {  	_ =	shalt  }
0x66: {  	_ =	shalt  }
0x67: {  	_ =	shalt  }
0x68: {  	_ =	shalt  }
0x69: {  	_ =	shalt  }
0x6a: {  	_ =	shalt  }
0x6b: {  	_ =	shalt  }
0x6c: {  	_ =	shalt  }
0x6d: {  	_ =	shalt  }
0x6e: {  	_ =	shalt  }
0x6f: {  	_ =	shalt  }
0x70: {  	_ =	shalt  }
0x71: {  	_ =	shalt  }
0x72: {  	_ =	shalt  }
0x73: {  	_ =	shalt  }
0x74: {  	_ =	shalt  }
0x75: {  	_ =	shalt  }
0x76: {  	_ =	shalt  }
0x77: {  	_ =	shalt  }
0x78: {  	_ =	shalt  }
0x79: {  	_ =	shalt  }
0x7a: {  	_ =	shalt  }
0x7b: {  	_ =	shalt  }
0x7c: {  	_ =	shalt  }
0x7d: {  	_ =	shalt  }
0x7e: {  	_ =	shalt  }
0x7f: {  	_ =	shalt  }
0x80: {  	_ =	shalt  }
0x81: {  	_ =	shalt  }
0x82: {  	_ =	shalt  }
0x83: {  	_ =	shalt  }
0x84: {  	_ =	shalt  }
0x85: {  	_ =	shalt  }
0x86: {  	_ =	shalt  }
0x87: {  	_ =	shalt  }
.Lfunc_end0:
.L_simem_size_0:
called_computation_lowered:
.L_overlay_start_0:
0x88: {  	s2 =	sld [smem:$0x3FD9]  }
0x89: {  	s3 =	sld [smem:$0x3FFE];
	_ =	sdelay $0x1  }
0x8a: {  	s1 =	srdreg.scid  }
0x8b: {  	s0 =	sand.u32 $0x1, s1  }
0x8c: {  	s16 =	sshll.u32 s0, $0xA;
	s2 =	sadd.s32 s3, s2  }
0x8d: {  	s2 =	sadd.s32 s2, s16  }
0x8e: {  	[smem:$0x3FC2] =	sst s2  }
0x8f: {  	_ = 	snop  }
0x90: {  	(tm) =	ssettm $0x1  }
0x91: {  	s17 =	sld [smem:$0x3FFB];
	_ =	sdelay $0x3  }
0x92: {  	_ =	strace s17  }
0x93: {  	s2 =	sld [smem:$0x3FFC];
	_ =	sdelay $0x3  }
0x94: {  	_ =	strace s2  }
0x95: {  	s2 =	sld [smem:$0x3FFD];
	_ =	sdelay $0x3  }
0x96: {  	_ =	strace s2  }
0x97: {  	_ =	strace $0x8FFFFFFF  }
0x98: {  	s18 =	sld [smem:$0x3FDB];
	_ =	sdelay $0x1  }
0x99: {  	s19 =	simm.s32 $_scs_section_size  }
0x9a: {  	s4 =	simm.s32 $_size__tile_overlayer_lowered;
	s5 =	simm.s32 $_tile_overlayer_lowered  }
0x9b: {  	s22 =	simm.s32 $0x1BFF;
	s21 =	sshll.u32 s5, $0x1;
	s2 =	sadd.s32 s19, s18  }
0x9c: {  	s6 =	simm.s32 $0x0;
	s20 =	sshll.u32 s4, $0x1;
	s4 =	sadd.s32 s21, s2  }
0x9d: {  	[timem:s6], [sflag:s22] =	dma.local [hbm:s4], s20  }
0x9e: {  	_ =	swait.ge [sflag:s22], s20  }
0x9f: {  	s3 =	ssub.s32 $0x0, s20;
	[sflag:s22] =	ssyncset.done $0x0  }
0xa0: {  	[sflag:s22] =	ssyncadd.s32 s3;
	_ =	sdelay $0x1  }
0xa1: {  	s23 =	simm.s32 $0x1B8B  }
0xa2: {  	_ =	swait.ge [sflag:s23], $0x1  }
0xa3: {  	[sflag:s23] =	ssyncset.done $0x0  }
0xa4: {  	s25 =	simm.s32 $0x1B8E;
	s24 =	sld [smem:$0x3FFE];
	[sflag:s23] =	ssyncadd.s32 $0xFFFFFFFF  }
0xa5: {  	s26 =	simm.s32 $execute0_lowered;
	[smem:$0x3FD2] =	sst s25  }
0xa6: {  	s4 =	sshll.u32 s26, $0x1;
	_ =	strace $0x80000046;
	[dreg:$0x1] =	wrdreg $0xFFFFFFFF  }
0xa7: {  	s28 =	simm.s32 $_size_execute0_lowered;
	s2 =	sadd.s32 s2, s4;
	[dreg:$0x0] =	wrdreg $0x0  }
0xa8: {  	s4 =	sshll.u32 s28, $0x1;
	[dreg:$0x2] =	wrdreg s2  }
0xa9: {  	[dreg:$0x3] =	wrdreg s4  }
0xaa: {  	[dreg:$0x4] =	wrdreg $0xC0  }
0xab: {  	_ =	task [dreg:s6], $0x5FFFF  }
0xac: {  	[dreg:$0x1] =	wrdreg $0xFFFFFFFF  }
0xad: {  	[dreg:$0x0] =	wrdreg $0x60  }
0xae: {  	[dreg:$0x2] =	wrdreg s24  }
0xaf: {  	[dreg:$0x3] =	wrdreg $0x28800  }
0xb0: {  	[dreg:$0x4] =	wrdreg $0x9  }
0xb1: {  	_ =	task.clear_ibuf [dreg:s6], $0x5FFFF;
	_ =	strace $0x90000046  }
0xb2: {  	s29 =	simm.s32 $0x9;
	_ =	strace $0x80000048  }
0xb3: {  	_ =	swait.ge [sflag:s29], $0x1  }
0xb4: {  	[sflag:s29] =	ssyncadd.s32 $0xFFFFFFFF  }
0xb5: {  	_ =	strace $0x90000048  }
0xb6: {  	_ =	sfence  }
0xb7: {  	s30 =	sld [smem:$0x0];
	_ =	sdelay $0x2  }
0xb8: {  	s31 =	sshll.u32 s1, $0xD;
	s1 =	sshrl.u32 s1, $0x2  }
0xb9: {  	s3 =	sand.u32 $0x4000, s31;
	s1 =	sadd.s32 s1, s30  }
0xba: {  	s0 =	sor.u32 s3, s0;
	s1 =	sshll.u32 s1, $0x11  }
0xbb: {  	s0 =	sor.u32 s1, s0  }
0xbc: {  	s0 =	sadd.s32 $0x8F2B, s0  }
0xbd: {  	[sflag:s0] =	ssyncadd.remote.s32 $0x1  }
0xbe: {  	_ =	sfence.sel $0xFFFF  }
0xbf: {  	[dreg:$0x0] =	wrdreg $0xFFFFFFFF;
	(pc) =	sbr.abs _section_cstart, $3  }
0xc0: {  	[dreg:$0x1] =	wrdreg $0xFFFFFFFF  }
0xc1: {  	_ =	task.clear_ibuf [dreg:s6], $0x2FFFF;
	_ =	strace $0x9FFFFFFF  }
0xc2: {  	(tm) =	ssettm $0x7FFFFFFF  }
0xc3: {  	_ =	shalt  }
tec
execute0_lowered:
.L_overlay_start_1:
0x0: {  	(tag) =	ssettag $0x1  }
0x1: {  	s0 =	srdreg.scid;
	s5 =	rddreg [dreg:$0x0]  }
0x2: {  	s2 =	rddreg [dreg:$0x1];
	s3 =	simm.s32 $0x0;
	s12 =	simm.s32 $0x2800  }
0x3: {  	s13 =	simm.s32 $0x0;
	s4 =	sand.u32 $0x1, s0;
	s0 =	stileid.u32  }
0x4: {  	[smem:$0x7FF] =	sst s3;
	s1 =	sshll.u32 s4, $0x4;
	s7 =	smul.u32 $0x280, s0  }
0x5: {  	s8 =	smul.u32 $0x2800, s4;
	s4 =	ssub.s32 $0x2, s4;
	s1 =	sor.u32 s0, s1  }
0x6: {  	s31 =	sshll.u32 s0, $0x6;
	s10 =	sshrl.u32 s4, $0x1;
	s6 =	smul.u32 $0x500, s1  }
0x7: {  	s1 =	rddreg [dreg:$0x2];
	_ =	strace $0x80000047;
	s8 =	sadd.s32 s7, s8  }
0x8: {  	s9 =	sshrl.u32 s7, $0x3;
	s10 =	ssub.s32 s4, s10;
	s11 =	sadd.s32 s7, s2  }
0x9: {  	s8 =	sshrl.u32 s8, $0x3;
	s9 =	sadd.s32 s9, s5;
	s7 =	smax.u32 s10, $0x1  }
0xa: {  	s10 =	sshrl.u32 s11, $0x3;
	s11 =	simm.s32 $0x80;
	s6 =	sadd.s32 s6, s5  }
0xb: {  	s8 =	sadd.s32 s8, s5;
	s5 =	sadd.s32 $0x16400, s9;
	s9 =	sor.u32 $0x1C01, s31  }
0xc: {  	v0 =	vimm.f32 $1.000000000e+00;
	s4 =	sadd.s32 $0x2400, s6;
	s6 =	sadd.s32 $0x16A00, s8;
	s8 =	simm.s32 $0x1  }
.LBB2_1:
0xd: {  	[tilespmem:$0x2800] =	vst v0  }
0xe: {  	[tilespmem:$0x2810] =	vst v0  }
0xf: {  	[tilespmem:$0x2820] =	vst v0  }
0x10: {  	[tilespmem:$0x2830] =	vst v0  }
0x11: {  	[tilespmem:$0x2840] =	vst v0  }
0x12: {  	[tilespmem:$0x2850] =	vst v0  }
0x13: {  	[tilespmem:$0x2860] =	vst v0  }
0x14: {  	[tilespmem:$0x2870] =	vst v0  }
0x15: {  	[tilespmem:s3], [sflag:$0x1] =	stream.linear.gather [hbm4b:s4+s3], $0x2800, $0x38;
	[tilespmem:$0x2B00] =	vst v63  }
0x16: {  	_ =	swait.ge [sflag:s8], $0x2800  }
0x17: {  	[sflag:s8] =	ssyncset.done $0x0  }
0x18: {  	[sflag:s8] =	ssyncadd.s32 $0xFFFFD800  }
0x19: {  	[spmem:s10], [sflag:s9] =	dma.local [hbm:s5], $0x50  }
0x1a: {  	_ =	swait.ge [sflag:s8], $0x50  }
0x1b: {  	[sflag:s8] =	ssyncset.done $0x0  }
0x1c: {  	[sflag:s8] =	ssyncadd.s32 $0xFFFFFFB0  }
0x1d: {  	s14 =	simm.s32 $0x0;
	[bflag:$0x0] =	sbarrier.arrive $0xFFFF  }
0x1e: {  	[spmem:s2] =	stream.indirect.scatter.add.f32 [tilespmem:s12], [sflag:$0x1], $0x1, s14, s11, $0xb8;
	[tilespmem:$0x2B00] =	vst v63  }
0x1f: {  	_ =	swait.ge [sflag:s8], $0x80  }
0x20: {  	s14 =	simm.s32 $0x200;
	[sflag:s8] =	ssyncset.done $0x0  }
.LBB2_2:
0x21: {  	s15 =	sshra.s32 s14, $0x2;
	[sflag:s8] =	ssyncadd.s32 $0xFFFFFF80;
	p0 =	sne.s32 s14, $0x9E00  }
0x22: {  	[spmem:s2] =	stream.indirect.scatter.add.f32 [tilespmem:s12], [sflag:$0x1], $0x1, s15, s11, $0xb8;
	[tilespmem:$0x2B00] =	vst v63  }
.Ltmp0:
0x23: {  	_ = 	snop;
	(pc) =	sbr.rel @p0 .LBB2_2-.Ltmp0, $4  }
0x24: {  	_ = 	snop  }
0x25: {  	s14 =	sadd.s32 $0x200, s14  }
0x26: {  	_ =	swait.ge [sflag:s8], $0x80  }
0x27: {  	[sflag:s8] =	ssyncset.done $0x0  }
0x28: {  	s13 =	sadd.s32 $0x1, s13  }
0x29: {  	[sflag:s8] =	ssyncadd.s32 $0xFFFFFF80;
	p0 =	sne.s32 s13, s7  }
.Ltmp1:
0x2a: {  	[bflag:$0x0] =	sbarrier.arrive $0xFFFF;
	(pc) =	sbr.rel @p0 .LBB2_1-.Ltmp1, $4  }
0x2b: {  	[hbm:s6], [sflag:s9] =	dma.local [spmem:s10], $0x50  }
0x2c: {  	_ =	swait.ge [sflag:s8], $0x50  }
0x2d: {  	[sflag:s8] =	ssyncset.done $0x0  }
0x2e: {  	[sflag:s8] =	ssyncadd.s32 $0xFFFFFFB0  }
0x2f: {  	_ =	sfence.sel $0x180000  }
0x30: {  	[bflag:$0x0] =	sbarrier.arrive $0xFFFF  }
0x31: {  	p0 =	sne.s32 s0, $0x0;
	_ =	strace $0x90000047  }
0x32: {  	s0 =	sadd.s32 @!p0 $0x100000, s1;
	[bflag:$0x2] =	sbarrier.arrive $0xFFFF  }
0x33: {  	[sflag:s0] =	ssyncadd.tile.s32 @!p0 $0x1;
	_ =	shalt  }
.Lfunc_end2:
_tile_overlayer_lowered:
.L_overlay_start_2:
0x34: {  	(tag) =	ssettag $0x2  }
0x35: {  	s0 =	rddreg [dreg:$0x0];
	s2 =	stileid.u32  }
0x36: {  	s1 =	rddreg [dreg:$0x1];
	p0 =	sne.s32 s2, $0x0  }
0x37: {  	s3 =	rddreg [dreg:$0x2];
	[bflag:$0x3] =	sbarrier.arrive $0xFFFF;
	s2 =	simm.s32 @!p0 $0x1C01  }
0x38: {  	[timem:s3], [sflag:s2] =	dma.local @!p0 [hbm:s0], s1  }
0x39: {  	s0 =	simm.s32 @!p0 $0x1  }
0x3a: {  	_ =	swait.ge @!p0 [sflag:s0], s1  }
0x3b: {  	s1 =	ssub.s32 @!p0 $0x0, s1;
	[sflag:s0] =	ssyncset.done @!p0 $0x0  }
0x3c: {  	[sflag:s0] =	ssyncadd.s32 @!p0 s1  }
0x3d: {  	[bflag:$0x3] =	sbarrier.arrive $0xFFFF  }
0x3e: {  	_ =	shalt  }

</sc_bundles>
